<compile_context>
chip_gen: v7x
topology: tpu7x:2x2x1
jax: 0.10.2.dev20260603
libtpu: 0.0.44.dev20260713+nightly
codegen_flags: <defaults>
</compile_context>

<pallas_src>
import functools

import jax
import jax.numpy as jnp
from jax import lax
from jax.experimental import pallas as pl
from jax.experimental.pallas import tpu as pltpu
from jax.experimental.pallas import tpu_sc as plsc

VOCAB = 1000
EMBED = 128
B = 1024
T = 200
TOUT = T - 1
TPAD = 200

NC, NS = 2, 16
NW = NC * NS
CHUNK = 128

SEGS = (512, 512)

BB = 16


def _make_sc_gather(bats):
    seg_rows = bats * TPAD
    cpw = seg_rows // (NW * CHUNK)
    rpw = cpw * CHUNK

    def body(idx_hbm, table_hbm, emb_hbm, idx_v, rows_v, bf_v, gsem, wsem):
        wid = lax.axis_index("s") * NC + lax.axis_index("c")
        base = wid * rpw
        pltpu.sync_copy(idx_hbm.at[wid], idx_v)

        pltpu.async_copy(table_hbm.at[idx_v.at[0]], rows_v.at[0], gsem.at[0])

        def convert(src, dst):
            def row(r, c):
                for j in range(EMBED // 32):
                    a = src[r, pl.ds(32 * j, 16)]
                    bh = src[r, pl.ds(32 * j + 16, 16)]
                    dst[r, pl.ds(32 * j, 32)] = plsc.pack(
                        a, bh, format=plsc.PackFormat.INTERLEAVED
                    )
                return c

            lax.fori_loop(0, CHUNK, row, 0)

        def do_chunk(g, bbuf, last):
            pltpu.make_async_copy(
                table_hbm.at[idx_v.at[g]], rows_v.at[bbuf], gsem.at[bbuf]
            ).wait()

            if not last:

                @pl.when(g + 1 < cpw)
                def _():
                    pltpu.async_copy(
                        table_hbm.at[idx_v.at[g + 1]],
                        rows_v.at[1 - bbuf],
                        gsem.at[1 - bbuf],
                    )

            @pl.when(g >= 2)
            def _():
                pltpu.make_async_copy(
                    bf_v.at[bbuf],
                    emb_hbm.at[pl.ds(base, CHUNK)],
                    wsem.at[bbuf],
                ).wait()

            convert(rows_v.at[bbuf], bf_v.at[bbuf])
            pltpu.async_copy(
                bf_v.at[bbuf],
                emb_hbm.at[pl.ds(base + g * CHUNK, CHUNK)],
                wsem.at[bbuf],
            )

        def outer(g0, carry):
            for bbuf in (0, 1):
                do_chunk(g0 * 2 + bbuf, bbuf, last=False)
            return carry

        lax.fori_loop(0, cpw // 2, outer, 0)
        if cpw % 2:
            do_chunk(jnp.int32(cpw - 1), (cpw - 1) % 2, last=True)

        for bbuf in (0, 1):
            pltpu.make_async_copy(
                bf_v.at[bbuf], emb_hbm.at[pl.ds(base, CHUNK)], wsem.at[bbuf]
            ).wait()

    return functools.partial(
        pl.kernel,
        out_type=jax.ShapeDtypeStruct((seg_rows, EMBED), jnp.bfloat16),
        mesh=plsc.VectorSubcoreMesh(
            core_axis_name="c", subcore_axis_name="s",
            num_cores=NC, num_subcores=NS,
        ),
        scratch_types=[
            pltpu.VMEM((cpw, CHUNK), jnp.int32),
            pltpu.VMEM((2, CHUNK, EMBED), jnp.float32),
            pltpu.VMEM((2, CHUNK, EMBED), jnp.bfloat16),
            pltpu.SemaphoreType.DMA((2,)),
            pltpu.SemaphoreType.DMA((2,)),
        ],
        compiler_params=pltpu.CompilerParams(needs_layout_passes=False),
    )(body)


def _mm_body_first(emb_ref, w_ref, b_ref, out_ref):
    acc = jnp.dot(emb_ref[...], w_ref[...], preferred_element_type=jnp.float32)
    acc = acc + b_ref[...]
    out_ref[...] = acc.reshape(BB, TPAD, VOCAB)[:, :TOUT, :]


def _mm_body_next(emb_ref, w_ref, b_ref, prev_ref, out_ref):
    del prev_ref
    _mm_body_first(emb_ref, w_ref, b_ref, out_ref)


def _tc_matmul(emb, w_bf16, b2d, bats, off, prev=None):
    grid = bats // BB
    in_specs = [
        pl.BlockSpec((BB * TPAD, EMBED), lambda i: (i, 0)),
        pl.BlockSpec((EMBED, VOCAB), lambda i: (0, 0)),
        pl.BlockSpec((1, VOCAB), lambda i: (0, 0)),
    ]
    args = (emb, w_bf16, b2d)
    body = _mm_body_first
    aliases = {}
    if prev is not None:
        in_specs.append(pl.BlockSpec(memory_space=pl.ANY))
        args = args + (prev,)
        body = _mm_body_next
        aliases = {3: 0}
    return pl.pallas_call(
        body,
        grid=(grid,),
        in_specs=in_specs,
        out_specs=pl.BlockSpec((BB, TOUT, VOCAB), lambda i: (i + off, 0, 0)),
        out_shape=jax.ShapeDtypeStruct((B, TOUT, VOCAB), jnp.float32),
        input_output_aliases=aliases,
    )(*args)


def _w_perm():
    perm = []
    for j in range(EMBED // 32):
        for i in range(16):
            perm.append(32 * j + i)
            perm.append(32 * j + 16 + i)
    return jnp.array(perm, dtype=jnp.int32)


def kernel(x, table, W, b):
    x = x.astype(jnp.int32)
    idx = jnp.concatenate(
        [x[:, :-1] * VOCAB + x[:, 1:], jnp.zeros((B, 1), jnp.int32)], axis=1
    )
    w_bf16 = W[_w_perm(), :].astype(jnp.bfloat16)
    b2d = b.reshape(1, VOCAB)
    embs = []
    b0 = 0
    for bats in SEGS:
        cpw = bats * TPAD // (NW * CHUNK)
        embs.append(
            _make_sc_gather(bats)(
                idx[b0:b0 + bats].reshape(NW, cpw, CHUNK), table
            )
        )
        b0 += bats
    logits = None
    b0 = 0
    for bats, emb in zip(SEGS, embs):
        logits = _tc_matmul(emb, w_bf16, b2d, bats, b0 // BB, prev=logits)
        b0 += bats
    return logits

# --- scband reference (transcript-rebuilt; emitter-appended) ---
"""Pipeline reference for scband-trigram-language-model-66718021976665 (READ-ONLY COPY).

The authoritative reference and input builder live on the scoring server;
editing this copy changes nothing except your own understanding.
"""

import jax, jax.numpy as jnp
import numpy as np

VOCAB = 1000
EMBED = 128

def setup_inputs(seed: int = 0) -> dict:
    key = jax.random.key(seed)
    k1, k2, k3 = jax.random.split(key, 3)
    x = jax.random.randint(k1, (1024, 200), 0, VOCAB, dtype=jnp.int64) if jax.config.jax_enable_x64 else jax.random.randint(k1, (1024, 200), 0, VOCAB, dtype=jnp.int32)
    table = jax.random.normal(k2, (VOCAB * VOCAB, EMBED), dtype=jnp.float32) * 0.02
    W = jax.random.normal(k3, (EMBED, VOCAB), dtype=jnp.float32) * 0.02
    b = jnp.zeros((VOCAB,), dtype=jnp.float32)
    return {"x": x, "table": table, "W": W, "b": b}

def reference(x, table, W, b):
    # trigram index: pair of consecutive tokens -> single index into vocab^2 table
    idx = x[:, :-1] * VOCAB + x[:, 1:]
    emb = jnp.take(table, idx, axis=0)          # [B, T-1, EMBED] embedding gather
    logits = jnp.einsum('btd,dv->btv', emb, W) + b  # [B, T-1, VOCAB]
    return logits

if __name__ == "__main__":
    import jax
    _d = setup_inputs()
    print(jax.jit(kernel)(*tuple(_d.values())))

</pallas_src>

<mosaic_0001>
#map = affine_map<(d0, d1) -> (0, 0, 0)>
#map1 = affine_map<(d0, d1) -> (0, 0)>
module attributes {stable_mosaic.version = 14 : i64} {
  func.func @body(%arg0: i32, %arg1: i32, %arg2: memref<32x25x128xi32, #tpu.memory_space<hbm>>, %arg3: memref<1000000x128xf32, #tpu.memory_space<hbm>>, %arg4: memref<102400x128xbf16, #tpu.memory_space<hbm>>, %arg5: memref<25x128xi32, #tpu.memory_space<vmem>>, %arg6: memref<2x128x128xf32, #tpu.memory_space<vmem>>, %arg7: memref<2x128x128xbf16, #tpu.memory_space<vmem>>, %arg8: memref<2x!tpu.dma_semaphore, #tpu.memory_space<semaphore_mem>>, %arg9: memref<2x!tpu.dma_semaphore, #tpu.memory_space<semaphore_mem>>) attributes {dimension_semantics = [#tpu.dimension_semantics<core_parallel>, #tpu.dimension_semantics<subcore_parallel>], iteration_bounds = array<i64: 2, 16>, scalar_prefetch = 0 : i64, scratch_operands = 5 : i64, tpu.core_type = #tpu.core_type<sc_vector_subcore>, window_params = [{transform_indices = #map}, {transform_indices = #map1}, {transform_indices = #map1}]} {
    %mul3A = arith.constant 2 : i32
    %mul3A_0 = arith.muli %arg1, %mul3A : i32
    %add3A = arith.addi %mul3A_0, %arg0 : i32
    %mul3A_1 = arith.constant 3200 : i32
    %mul3A_2 = arith.muli %add3A, %mul3A_1 : i32
    "tpu.region"() ({
      %run_scoped3A = tpu.sem_alloc : memref<!tpu.dma_semaphore, #tpu.memory_space<semaphore_mem>>
      %dma_start3A_99 = arith.constant 0 : i32
      %dma_start3A_100 = arith.constant 0 : i32
      %dma_start3A_101 = tpu.memref_slice %arg2[%add3A, %dma_start3A_99, %dma_start3A_100] : memref<32x25x128xi32, #tpu.memory_space<hbm>> -> memref<1x25x128xi32, #tpu.memory_space<hbm>>
      %dma_start3A_102 = tpu.memref_squeeze %dma_start3A_101 : memref<1x25x128xi32, #tpu.memory_space<hbm>> -> memref<25x128xi32, #tpu.memory_space<hbm>>
      %dma_start3A_103 = arith.constant 0 : i32
      %dma_start3A_104 = arith.constant 0 : i32
      %dma_start3A_105 = tpu.memref_slice %arg2[%add3A, %dma_start3A_103, %dma_start3A_104] : memref<32x25x128xi32, #tpu.memory_space<hbm>> -> memref<1x25x128xi32, #tpu.memory_space<hbm>>
      %dma_start3A_106 = tpu.memref_squeeze %dma_start3A_105 : memref<1x25x128xi32, #tpu.memory_space<hbm>> -> memref<25x128xi32, #tpu.memory_space<hbm>>
      tpu.enqueue_dma source(%dma_start3A_106 : memref<25x128xi32, #tpu.memory_space<hbm>>) target(%arg5 : memref<25x128xi32, #tpu.memory_space<vmem>>) target_semaphore(%run_scoped3A : memref<!tpu.dma_semaphore, #tpu.memory_space<semaphore_mem>>)
      %dma_wait3A_107 = arith.constant 0 : i32
      %dma_wait3A_108 = arith.constant 0 : i32
      %dma_wait3A_109 = tpu.memref_slice %arg2[%add3A, %dma_wait3A_107, %dma_wait3A_108] : memref<32x25x128xi32, #tpu.memory_space<hbm>> -> memref<1x25x128xi32, #tpu.memory_space<hbm>>
      %dma_wait3A_110 = tpu.memref_squeeze %dma_wait3A_109 : memref<1x25x128xi32, #tpu.memory_space<hbm>> -> memref<25x128xi32, #tpu.memory_space<hbm>>
      %dma_wait3A_111 = arith.constant 0 : i32
      %dma_wait3A_112 = arith.constant 0 : i32
      %dma_wait3A_113 = tpu.memref_slice %arg2[%add3A, %dma_wait3A_111, %dma_wait3A_112] : memref<32x25x128xi32, #tpu.memory_space<hbm>> -> memref<1x25x128xi32, #tpu.memory_space<hbm>>
      %dma_wait3A_114 = tpu.memref_squeeze %dma_wait3A_113 : memref<1x25x128xi32, #tpu.memory_space<hbm>> -> memref<25x128xi32, #tpu.memory_space<hbm>>
      tpu.wait_dma2 semaphore(%run_scoped3A : memref<!tpu.dma_semaphore, #tpu.memory_space<semaphore_mem>>) src(%dma_wait3A_114 : memref<25x128xi32, #tpu.memory_space<hbm>>) dst(%arg5 : memref<25x128xi32, #tpu.memory_space<vmem>>)
      tpu.yield
    }) : () -> ()
    %dma_start3A = arith.constant 0 : i32
    %dma_start3A_3 = arith.constant 0 : i32
    %dma_start3A_4 = arith.constant 0 : i32
    %dma_start3A_5 = arith.constant 0 : i32
    %dma_start3A_6 = arith.constant 0 : i32
    %dma_start3A_7 = tpu.memref_slice %arg6[%dma_start3A_3, %dma_start3A_5, %dma_start3A_6] : memref<2x128x128xf32, #tpu.memory_space<vmem>> -> memref<1x128x128xf32, #tpu.memory_space<vmem>>
    %dma_start3A_8 = tpu.memref_squeeze %dma_start3A_7 : memref<1x128x128xf32, #tpu.memory_space<vmem>> -> memref<128x128xf32, #tpu.memory_space<vmem>>
    %dma_start3A_9 = arith.constant 0 : i32
    %dma_start3A_10 = tpu.memref_slice %arg5[%dma_start3A, %dma_start3A_9] : memref<25x128xi32, #tpu.memory_space<vmem>> -> memref<1x128xi32, #tpu.memory_space<vmem>>
    %dma_start3A_11 = tpu.memref_squeeze %dma_start3A_10 : memref<1x128xi32, #tpu.memory_space<vmem>> -> memref<128xi32, #tpu.memory_space<vmem>>
    %dma_start3A_12 = arith.constant 0 : i32
    %dma_start3A_13 = arith.constant 0 : i32
    %dma_start3A_14 = tpu.memref_slice %arg3[%dma_start3A_12, %dma_start3A_13] : memref<1000000x128xf32, #tpu.memory_space<hbm>> -> memref<1000000x128xf32, #tpu.memory_space<hbm>>
    %dma_start3A_15 = tpu.memref_slice %arg8[%dma_start3A_4] : memref<2x!tpu.dma_semaphore, #tpu.memory_space<semaphore_mem>> -> memref<1x!tpu.dma_semaphore, #tpu.memory_space<semaphore_mem>>
    %dma_start3A_16 = tpu.memref_squeeze %dma_start3A_15 : memref<1x!tpu.dma_semaphore, #tpu.memory_space<semaphore_mem>> -> memref<!tpu.dma_semaphore, #tpu.memory_space<semaphore_mem>>
    tpu.enqueue_indirect_dma source(%dma_start3A_14 : memref<1000000x128xf32, #tpu.memory_space<hbm>>) target(%dma_start3A_8 : memref<128x128xf32, #tpu.memory_space<vmem>>) offsets(%dma_start3A_11 : memref<128xi32, #tpu.memory_space<vmem>>) semaphore(%dma_start3A_16 : memref<!tpu.dma_semaphore, #tpu.memory_space<semaphore_mem>>)
    %scan3A = arith.constant 0 : i32
    %scan3A_17 = arith.constant 0 : i32
    %scan3A_18 = arith.constant 12 : i32
    %scan3A_19 = arith.addi %scan3A_17, %scan3A_18 : i32
    %scan3A_20 = arith.constant 1 : i32
    scf.for %scan3A_99 = %scan3A_17 to %scan3A_19 step %scan3A_20  : i32 {
      %mul3A_100 = arith.constant 2 : i32
      %mul3A_101 = arith.muli %scan3A_99, %mul3A_100 : i32
      %add3A_102 = arith.constant 0 : i32
      %add3A_103 = arith.addi %mul3A_101, %add3A_102 : i32
      %dma_wait3A_104 = arith.constant 0 : i32
      %dma_wait3A_105 = arith.constant 0 : i32
      %dma_wait3A_106 = arith.constant 0 : i32
      %dma_wait3A_107 = arith.constant 0 : i32
      %dma_wait3A_108 = tpu.memref_slice %arg6[%dma_wait3A_104, %dma_wait3A_106, %dma_wait3A_107] : memref<2x128x128xf32, #tpu.memory_space<vmem>> -> memref<1x128x128xf32, #tpu.memory_space<vmem>>
      %dma_wait3A_109 = tpu.memref_squeeze %dma_wait3A_108 : memref<1x128x128xf32, #tpu.memory_space<vmem>> -> memref<128x128xf32, #tpu.memory_space<vmem>>
      %dma_wait3A_110 = arith.constant 0 : i32
      %dma_wait3A_111 = tpu.memref_slice %arg5[%add3A_103, %dma_wait3A_110] : memref<25x128xi32, #tpu.memory_space<vmem>> -> memref<1x128xi32, #tpu.memory_space<vmem>>
      %dma_wait3A_112 = tpu.memref_squeeze %dma_wait3A_111 : memref<1x128xi32, #tpu.memory_space<vmem>> -> memref<128xi32, #tpu.memory_space<vmem>>
      %dma_wait3A_113 = arith.constant 0 : i32
      %dma_wait3A_114 = arith.constant 0 : i32
      %dma_wait3A_115 = tpu.memref_slice %arg3[%dma_wait3A_113, %dma_wait3A_114] : memref<1000000x128xf32, #tpu.memory_space<hbm>> -> memref<1000000x128xf32, #tpu.memory_space<hbm>>
      %dma_wait3A_116 = tpu.memref_slice %arg8[%dma_wait3A_105] : memref<2x!tpu.dma_semaphore, #tpu.memory_space<semaphore_mem>> -> memref<1x!tpu.dma_semaphore, #tpu.memory_space<semaphore_mem>>
      %dma_wait3A_117 = tpu.memref_squeeze %dma_wait3A_116 : memref<1x!tpu.dma_semaphore, #tpu.memory_space<semaphore_mem>> -> memref<!tpu.dma_semaphore, #tpu.memory_space<semaphore_mem>>
      tpu.wait_indirect_dma semaphore(%dma_wait3A_117 : memref<!tpu.dma_semaphore, #tpu.memory_space<semaphore_mem>>) src(%dma_wait3A_115 : memref<1000000x128xf32, #tpu.memory_space<hbm>>) dst(%dma_wait3A_109 : memref<128x128xf32, #tpu.memory_space<vmem>>)
      %add3A_118 = arith.constant 1 : i32
      %add3A_119 = arith.addi %add3A_103, %add3A_118 : i32
      %lt3A = arith.constant 25 : i32
      %lt3A_120 = arith.cmpi slt, %add3A_119, %lt3A : i32
      %convert_element_type3A_121 = arith.extui %lt3A_120 : i1 to i32
      %cond3A_122 = arith.constant 0 : i32
      %cond3A_123 = arith.cmpi ne, %convert_element_type3A_121, %cond3A_122 : i32
      scf.if %cond3A_123 {
        %add3A_213 = arith.constant 1 : i32
        %add3A_214 = arith.addi %add3A_103, %add3A_213 : i32
        %dma_start3A_215 = arith.constant 1 : i32
        %dma_start3A_216 = arith.constant 1 : i32
        %dma_start3A_217 = arith.constant 0 : i32
        %dma_start3A_218 = arith.constant 0 : i32
        %dma_start3A_219 = tpu.memref_slice %arg6[%dma_start3A_215, %dma_start3A_217, %dma_start3A_218] : memref<2x128x128xf32, #tpu.memory_space<vmem>> -> memref<1x128x128xf32, #tpu.memory_space<vmem>>
        %dma_start3A_220 = tpu.memref_squeeze %dma_start3A_219 : memref<1x128x128xf32, #tpu.memory_space<vmem>> -> memref<128x128xf32, #tpu.memory_space<vmem>>
        %dma_start3A_221 = arith.constant 0 : i32
        %dma_start3A_222 = tpu.memref_slice %arg5[%add3A_214, %dma_start3A_221] : memref<25x128xi32, #tpu.memory_space<vmem>> -> memref<1x128xi32, #tpu.memory_space<vmem>>
        %dma_start3A_223 = tpu.memref_squeeze %dma_start3A_222 : memref<1x128xi32, #tpu.memory_space<vmem>> -> memref<128xi32, #tpu.memory_space<vmem>>
        %dma_start3A_224 = arith.constant 0 : i32
        %dma_start3A_225 = arith.constant 0 : i32
        %dma_start3A_226 = tpu.memref_slice %arg3[%dma_start3A_224, %dma_start3A_225] : memref<1000000x128xf32, #tpu.memory_space<hbm>> -> memref<1000000x128xf32, #tpu.memory_space<hbm>>
        %dma_start3A_227 = tpu.memref_slice %arg8[%dma_start3A_216] : memref<2x!tpu.dma_semaphore, #tpu.memory_space<semaphore_mem>> -> memref<1x!tpu.dma_semaphore, #tpu.memory_space<semaphore_mem>>
        %dma_start3A_228 = tpu.memref_squeeze %dma_start3A_227 : memref<1x!tpu.dma_semaphore, #tpu.memory_space<semaphore_mem>> -> memref<!tpu.dma_semaphore, #tpu.memory_space<semaphore_mem>>
        tpu.enqueue_indirect_dma source(%dma_start3A_226 : memref<1000000x128xf32, #tpu.memory_space<hbm>>) target(%dma_start3A_220 : memref<128x128xf32, #tpu.memory_space<vmem>>) offsets(%dma_start3A_223 : memref<128xi32, #tpu.memory_space<vmem>>) semaphore(%dma_start3A_228 : memref<!tpu.dma_semaphore, #tpu.memory_space<semaphore_mem>>)
      } else {
      }
      %ge3A_124 = arith.constant 2 : i32
      %ge3A_125 = arith.cmpi sge, %add3A_103, %ge3A_124 : i32
      %convert_element_type3A_126 = arith.extui %ge3A_125 : i1 to i32
      %cond3A_127 = arith.constant 0 : i32
      %cond3A_128 = arith.cmpi ne, %convert_element_type3A_126, %cond3A_127 : i32
      scf.if %cond3A_128 {
        %dma_wait3A_213 = arith.constant 0 : i32
        %dma_wait3A_214 = arith.constant 0 : i32
        %dma_wait3A_215 = arith.constant 0 : i32
        %dma_wait3A_216 = arith.constant 0 : i32
        %dma_wait3A_217 = tpu.memref_slice %arg7[%dma_wait3A_213, %dma_wait3A_215, %dma_wait3A_216] : memref<2x128x128xbf16, #tpu.memory_space<vmem>> -> memref<1x128x128xbf16, #tpu.memory_space<vmem>>
        %dma_wait3A_218 = tpu.memref_squeeze %dma_wait3A_217 : memref<1x128x128xbf16, #tpu.memory_space<vmem>> -> memref<128x128xbf16, #tpu.memory_space<vmem>>
        %dma_wait3A_219 = arith.constant 0 : i32
        %dma_wait3A_220 = tpu.memref_slice %arg4[%mul3A_2, %dma_wait3A_219] : memref<102400x128xbf16, #tpu.memory_space<hbm>> -> memref<128x128xbf16, #tpu.memory_space<hbm>>
        %dma_wait3A_221 = tpu.memref_slice %arg9[%dma_wait3A_214] : memref<2x!tpu.dma_semaphore, #tpu.memory_space<semaphore_mem>> -> memref<1x!tpu.dma_semaphore, #tpu.memory_space<semaphore_mem>>
        %dma_wait3A_222 = tpu.memref_squeeze %dma_wait3A_221 : memref<1x!tpu.dma_semaphore, #tpu.memory_space<semaphore_mem>> -> memref<!tpu.dma_semaphore, #tpu.memory_space<semaphore_mem>>
        %dma_wait3A_223 = arith.constant 0 : i32
        %dma_wait3A_224 = tpu.memref_slice %arg4[%mul3A_2, %dma_wait3A_223] : memref<102400x128xbf16, #tpu.memory_space<hbm>> -> memref<128x128xbf16, #tpu.memory_space<hbm>>
        %dma_wait3A_225 = arith.constant 0 : i32
        %dma_wait3A_226 = arith.constant 0 : i32
        %dma_wait3A_227 = tpu.memref_slice %arg7[%dma_wait3A_213, %dma_wait3A_225, %dma_wait3A_226] : memref<2x128x128xbf16, #tpu.memory_space<vmem>> -> memref<1x128x128xbf16, #tpu.memory_space<vmem>>
        %dma_wait3A_228 = tpu.memref_squeeze %dma_wait3A_227 : memref<1x128x128xbf16, #tpu.memory_space<vmem>> -> memref<128x128xbf16, #tpu.memory_space<vmem>>
        tpu.wait_dma2 semaphore(%dma_wait3A_222 : memref<!tpu.dma_semaphore, #tpu.memory_space<semaphore_mem>>) src(%dma_wait3A_228 : memref<128x128xbf16, #tpu.memory_space<vmem>>) dst(%dma_wait3A_224 : memref<128x128xbf16, #tpu.memory_space<hbm>>)
      } else {
      }
      %scan3A_129 = arith.constant 0 : i32
      %scan3A_130 = arith.constant 0 : i32
      %scan3A_131 = arith.constant 0 : i32
      %scan3A_132 = arith.constant 0 : i32
      %scan3A_133 = arith.constant 128 : i32
      %scan3A_134 = arith.addi %scan3A_132, %scan3A_133 : i32
      %scan3A_135 = arith.constant 1 : i32
      scf.for %scan3A_213 = %scan3A_132 to %scan3A_134 step %scan3A_135  : i32 {
        %get3A = arith.constant 0 : i32
        %get3A_214 = arith.constant 0 : i32
        %get3A_215 = tpu.memref_slice %arg6[%scan3A_130, %get3A, %get3A_214] : memref<2x128x128xf32, #tpu.memory_space<vmem>> -> memref<1x128x128xf32, #tpu.memory_space<vmem>>
        %get3A_216 = tpu.memref_squeeze %get3A_215 : memref<1x128x128xf32, #tpu.memory_space<vmem>> -> memref<128x128xf32, #tpu.memory_space<vmem>>
        %get3A_217 = arith.index_cast %scan3A_213 : i32 to index
        %get3A_218 = arith.constant 0 : index
        %get3A_219 = tpu.vector_load %get3A_216[%get3A_217, %get3A_218] {strides = array<i32>} : memref<128x128xf32, #tpu.memory_space<vmem>>, vector<16xf32>,
        %get3A_220 = arith.constant 0 : i32
        %get3A_221 = arith.constant 0 : i32
        %get3A_222 = tpu.memref_slice %arg6[%scan3A_130, %get3A_220, %get3A_221] : memref<2x128x128xf32, #tpu.memory_space<vmem>> -> memref<1x128x128xf32, #tpu.memory_space<vmem>>
        %get3A_223 = tpu.memref_squeeze %get3A_222 : memref<1x128x128xf32, #tpu.memory_space<vmem>> -> memref<128x128xf32, #tpu.memory_space<vmem>>
        %get3A_224 = arith.index_cast %scan3A_213 : i32 to index
        %get3A_225 = arith.constant 16 : index
        %get3A_226 = tpu.vector_load %get3A_223[%get3A_224, %get3A_225] {strides = array<i32>} : memref<128x128xf32, #tpu.memory_space<vmem>>, vector<16xf32>,
        %pack3A = tpu.pack_subelements %get3A_219, %get3A_226 {pack_format = #tpu.pack_format<interleaved>, positions = array<i32: 0, 1>} : vector<16xf32>, vector<16xf32> -> vector<32xbf16>
        %swap3A = arith.constant 0 : i32
        %swap3A_227 = arith.constant 0 : i32
        %swap3A_228 = tpu.memref_slice %arg7[%scan3A_131, %swap3A, %swap3A_227] : memref<2x128x128xbf16, #tpu.memory_space<vmem>> -> memref<1x128x128xbf16, #tpu.memory_space<vmem>>
        %swap3A_229 = tpu.memref_squeeze %swap3A_228 : memref<1x128x128xbf16, #tpu.memory_space<vmem>> -> memref<128x128xbf16, #tpu.memory_space<vmem>>
        %swap3A_230 = arith.index_cast %scan3A_213 : i32 to index
        %swap3A_231 = arith.constant 0 : index
        %swap3A_232 = tpu.vector_load %swap3A_229[%swap3A_230, %swap3A_231] {strides = array<i32>} : memref<128x128xbf16, #tpu.memory_space<vmem>>, vector<32xbf16>,
        tpu.vector_store %swap3A_229[%swap3A_230, %swap3A_231], %pack3A {strides = array<i32>} : memref<128x128xbf16, #tpu.memory_space<vmem>>, vector<32xbf16>,
        %get3A_233 = arith.constant 0 : i32
        %get3A_234 = arith.constant 0 : i32
        %get3A_235 = tpu.memref_slice %arg6[%scan3A_130, %get3A_233, %get3A_234] : memref<2x128x128xf32, #tpu.memory_space<vmem>> -> memref<1x128x128xf32, #tpu.memory_space<vmem>>
        %get3A_236 = tpu.memref_squeeze %get3A_235 : memref<1x128x128xf32, #tpu.memory_space<vmem>> -> memref<128x128xf32, #tpu.memory_space<vmem>>
        %get3A_237 = arith.index_cast %scan3A_213 : i32 to index
        %get3A_238 = arith.constant 32 : index
        %get3A_239 = tpu.vector_load %get3A_236[%get3A_237, %get3A_238] {strides = array<i32>} : memref<128x128xf32, #tpu.memory_space<vmem>>, vector<16xf32>,
        %get3A_240 = arith.constant 0 : i32
        %get3A_241 = arith.constant 0 : i32
        %get3A_242 = tpu.memref_slice %arg6[%scan3A_130, %get3A_240, %get3A_241] : memref<2x128x128xf32, #tpu.memory_space<vmem>> -> memref<1x128x128xf32, #tpu.memory_space<vmem>>
        %get3A_243 = tpu.memref_squeeze %get3A_242 : memref<1x128x128xf32, #tpu.memory_space<vmem>> -> memref<128x128xf32, #tpu.memory_space<vmem>>
        %get3A_244 = arith.index_cast %scan3A_213 : i32 to index
        %get3A_245 = arith.constant 48 : index
        %get3A_246 = tpu.vector_load %get3A_243[%get3A_244, %get3A_245] {strides = array<i32>} : memref<128x128xf32, #tpu.memory_space<vmem>>, vector<16xf32>,
        %pack3A_247 = tpu.pack_subelements %get3A_239, %get3A_246 {pack_format = #tpu.pack_format<interleaved>, positions = array<i32: 0, 1>} : vector<16xf32>, vector<16xf32> -> vector<32xbf16>
        %swap3A_248 = arith.constant 0 : i32
        %swap3A_249 = arith.constant 0 : i32
        %swap3A_250 = tpu.memref_slice %arg7[%scan3A_131, %swap3A_248, %swap3A_249] : memref<2x128x128xbf16, #tpu.memory_space<vmem>> -> memref<1x128x128xbf16, #tpu.memory_space<vmem>>
        %swap3A_251 = tpu.memref_squeeze %swap3A_250 : memref<1x128x128xbf16, #tpu.memory_space<vmem>> -> memref<128x128xbf16, #tpu.memory_space<vmem>>
        %swap3A_252 = arith.index_cast %scan3A_213 : i32 to index
        %swap3A_253 = arith.constant 32 : index
        %swap3A_254 = tpu.vector_load %swap3A_251[%swap3A_252, %swap3A_253] {strides = array<i32>} : memref<128x128xbf16, #tpu.memory_space<vmem>>, vector<32xbf16>,
        tpu.vector_store %swap3A_251[%swap3A_252, %swap3A_253], %pack3A_247 {strides = array<i32>} : memref<128x128xbf16, #tpu.memory_space<vmem>>, vector<32xbf16>,
        %get3A_255 = arith.constant 0 : i32
        %get3A_256 = arith.constant 0 : i32
        %get3A_257 = tpu.memref_slice %arg6[%scan3A_130, %get3A_255, %get3A_256] : memref<2x128x128xf32, #tpu.memory_space<vmem>> -> memref<1x128x128xf32, #tpu.memory_space<vmem>>
        %get3A_258 = tpu.memref_squeeze %get3A_257 : memref<1x128x128xf32, #tpu.memory_space<vmem>> -> memref<128x128xf32, #tpu.memory_space<vmem>>
        %get3A_259 = arith.index_cast %scan3A_213 : i32 to index
        %get3A_260 = arith.constant 64 : index
        %get3A_261 = tpu.vector_load %get3A_258[%get3A_259, %get3A_260] {strides = array<i32>} : memref<128x128xf32, #tpu.memory_space<vmem>>, vector<16xf32>,
        %get3A_262 = arith.constant 0 : i32
        %get3A_263 = arith.constant 0 : i32
        %get3A_264 = tpu.memref_slice %arg6[%scan3A_130, %get3A_262, %get3A_263] : memref<2x128x128xf32, #tpu.memory_space<vmem>> -> memref<1x128x128xf32, #tpu.memory_space<vmem>>
        %get3A_265 = tpu.memref_squeeze %get3A_264 : memref<1x128x128xf32, #tpu.memory_space<vmem>> -> memref<128x128xf32, #tpu.memory_space<vmem>>
        %get3A_266 = arith.index_cast %scan3A_213 : i32 to index
        %get3A_267 = arith.constant 80 : index
        %get3A_268 = tpu.vector_load %get3A_265[%get3A_266, %get3A_267] {strides = array<i32>} : memref<128x128xf32, #tpu.memory_space<vmem>>, vector<16xf32>,
        %pack3A_269 = tpu.pack_subelements %get3A_261, %get3A_268 {pack_format = #tpu.pack_format<interleaved>, positions = array<i32: 0, 1>} : vector<16xf32>, vector<16xf32> -> vector<32xbf16>
        %swap3A_270 = arith.constant 0 : i32
        %swap3A_271 = arith.constant 0 : i32
        %swap3A_272 = tpu.memref_slice %arg7[%scan3A_131, %swap3A_270, %swap3A_271] : memref<2x128x128xbf16, #tpu.memory_space<vmem>> -> memref<1x128x128xbf16, #tpu.memory_space<vmem>>
        %swap3A_273 = tpu.memref_squeeze %swap3A_272 : memref<1x128x128xbf16, #tpu.memory_space<vmem>> -> memref<128x128xbf16, #tpu.memory_space<vmem>>
        %swap3A_274 = arith.index_cast %scan3A_213 : i32 to index
        %swap3A_275 = arith.constant 64 : index
        %swap3A_276 = tpu.vector_load %swap3A_273[%swap3A_274, %swap3A_275] {strides = array<i32>} : memref<128x128xbf16, #tpu.memory_space<vmem>>, vector<32xbf16>,
        tpu.vector_store %swap3A_273[%swap3A_274, %swap3A_275], %pack3A_269 {strides = array<i32>} : memref<128x128xbf16, #tpu.memory_space<vmem>>, vector<32xbf16>,
        %get3A_277 = arith.constant 0 : i32
        %get3A_278 = arith.constant 0 : i32
        %get3A_279 = tpu.memref_slice %arg6[%scan3A_130, %get3A_277, %get3A_278] : memref<2x128x128xf32, #tpu.memory_space<vmem>> -> memref<1x128x128xf32, #tpu.memory_space<vmem>>
        %get3A_280 = tpu.memref_squeeze %get3A_279 : memref<1x128x128xf32, #tpu.memory_space<vmem>> -> memref<128x128xf32, #tpu.memory_space<vmem>>
        %get3A_281 = arith.index_cast %scan3A_213 : i32 to index
        %get3A_282 = arith.constant 96 : index
        %get3A_283 = tpu.vector_load %get3A_280[%get3A_281, %get3A_282] {strides = array<i32>} : memref<128x128xf32, #tpu.memory_space<vmem>>, vector<16xf32>,
        %get3A_284 = arith.constant 0 : i32
        %get3A_285 = arith.constant 0 : i32
        %get3A_286 = tpu.memref_slice %arg6[%scan3A_130, %get3A_284, %get3A_285] : memref<2x128x128xf32, #tpu.memory_space<vmem>> -> memref<1x128x128xf32, #tpu.memory_space<vmem>>
        %get3A_287 = tpu.memref_squeeze %get3A_286 : memref<1x128x128xf32, #tpu.memory_space<vmem>> -> memref<128x128xf32, #tpu.memory_space<vmem>>
        %get3A_288 = arith.index_cast %scan3A_213 : i32 to index
        %get3A_289 = arith.constant 112 : index
        %get3A_290 = tpu.vector_load %get3A_287[%get3A_288, %get3A_289] {strides = array<i32>} : memref<128x128xf32, #tpu.memory_space<vmem>>, vector<16xf32>,
        %pack3A_291 = tpu.pack_subelements %get3A_283, %get3A_290 {pack_format = #tpu.pack_format<interleaved>, positions = array<i32: 0, 1>} : vector<16xf32>, vector<16xf32> -> vector<32xbf16>
        %swap3A_292 = arith.constant 0 : i32
        %swap3A_293 = arith.constant 0 : i32
        %swap3A_294 = tpu.memref_slice %arg7[%scan3A_131, %swap3A_292, %swap3A_293] : memref<2x128x128xbf16, #tpu.memory_space<vmem>> -> memref<1x128x128xbf16, #tpu.memory_space<vmem>>
        %swap3A_295 = tpu.memref_squeeze %swap3A_294 : memref<1x128x128xbf16, #tpu.memory_space<vmem>> -> memref<128x128xbf16, #tpu.memory_space<vmem>>
        %swap3A_296 = arith.index_cast %scan3A_213 : i32 to index
        %swap3A_297 = arith.constant 96 : index
        %swap3A_298 = tpu.vector_load %swap3A_295[%swap3A_296, %swap3A_297] {strides = array<i32>} : memref<128x128xbf16, #tpu.memory_space<vmem>>, vector<32xbf16>,
        tpu.vector_store %swap3A_295[%swap3A_296, %swap3A_297], %pack3A_291 {strides = array<i32>} : memref<128x128xbf16, #tpu.memory_space<vmem>>, vector<32xbf16>,
      }
      %scan3A_136 = arith.constant 128 : i32
      %mul3A_137 = arith.constant 128 : i32
      %mul3A_138 = arith.muli %add3A_103, %mul3A_137 : i32
      %add3A_139 = arith.addi %mul3A_2, %mul3A_138 : i32
      %dma_start3A_140 = arith.constant 0 : i32
      %dma_start3A_141 = arith.constant 0 : i32
      %dma_start3A_142 = arith.constant 0 : i32
      %dma_start3A_143 = arith.constant 0 : i32
      %dma_start3A_144 = tpu.memref_slice %arg7[%dma_start3A_140, %dma_start3A_142, %dma_start3A_143] : memref<2x128x128xbf16, #tpu.memory_space<vmem>> -> memref<1x128x128xbf16, #tpu.memory_space<vmem>>
      %dma_start3A_145 = tpu.memref_squeeze %dma_start3A_144 : memref<1x128x128xbf16, #tpu.memory_space<vmem>> -> memref<128x128xbf16, #tpu.memory_space<vmem>>
      %dma_start3A_146 = arith.constant 0 : i32
      %dma_start3A_147 = tpu.memref_slice %arg4[%add3A_139, %dma_start3A_146] : memref<102400x128xbf16, #tpu.memory_space<hbm>> -> memref<128x128xbf16, #tpu.memory_space<hbm>>
      %dma_start3A_148 = tpu.memref_slice %arg9[%dma_start3A_141] : memref<2x!tpu.dma_semaphore, #tpu.memory_space<semaphore_mem>> -> memref<1x!tpu.dma_semaphore, #tpu.memory_space<semaphore_mem>>
      %dma_start3A_149 = tpu.memref_squeeze %dma_start3A_148 : memref<1x!tpu.dma_semaphore, #tpu.memory_space<semaphore_mem>> -> memref<!tpu.dma_semaphore, #tpu.memory_space<semaphore_mem>>
      %dma_start3A_150 = arith.constant 0 : i32
      %dma_start3A_151 = tpu.memref_slice %arg4[%add3A_139, %dma_start3A_150] : memref<102400x128xbf16, #tpu.memory_space<hbm>> -> memref<128x128xbf16, #tpu.memory_space<hbm>>
      %dma_start3A_152 = arith.constant 0 : i32
      %dma_start3A_153 = arith.constant 0 : i32
      %dma_start3A_154 = tpu.memref_slice %arg7[%dma_start3A_140, %dma_start3A_152, %dma_start3A_153] : memref<2x128x128xbf16, #tpu.memory_space<vmem>> -> memref<1x128x128xbf16, #tpu.memory_space<vmem>>
      %dma_start3A_155 = tpu.memref_squeeze %dma_start3A_154 : memref<1x128x128xbf16, #tpu.memory_space<vmem>> -> memref<128x128xbf16, #tpu.memory_space<vmem>>
      tpu.enqueue_dma source(%dma_start3A_155 : memref<128x128xbf16, #tpu.memory_space<vmem>>) target(%dma_start3A_151 : memref<128x128xbf16, #tpu.memory_space<hbm>>) target_semaphore(%dma_start3A_149 : memref<!tpu.dma_semaphore, #tpu.memory_space<semaphore_mem>>)
      %mul3A_156 = arith.constant 2 : i32
      %mul3A_157 = arith.muli %scan3A_99, %mul3A_156 : i32
      %add3A_158 = arith.constant 1 : i32
      %add3A_159 = arith.addi %mul3A_157, %add3A_158 : i32
      %dma_wait3A_160 = arith.constant 1 : i32
      %dma_wait3A_161 = arith.constant 1 : i32
      %dma_wait3A_162 = arith.constant 0 : i32
      %dma_wait3A_163 = arith.constant 0 : i32
      %dma_wait3A_164 = tpu.memref_slice %arg6[%dma_wait3A_160, %dma_wait3A_162, %dma_wait3A_163] : memref<2x128x128xf32, #tpu.memory_space<vmem>> -> memref<1x128x128xf32, #tpu.memory_space<vmem>>
      %dma_wait3A_165 = tpu.memref_squeeze %dma_wait3A_164 : memref<1x128x128xf32, #tpu.memory_space<vmem>> -> memref<128x128xf32, #tpu.memory_space<vmem>>
      %dma_wait3A_166 = arith.constant 0 : i32
      %dma_wait3A_167 = tpu.memref_slice %arg5[%add3A_159, %dma_wait3A_166] : memref<25x128xi32, #tpu.memory_space<vmem>> -> memref<1x128xi32, #tpu.memory_space<vmem>>
      %dma_wait3A_168 = tpu.memref_squeeze %dma_wait3A_167 : memref<1x128xi32, #tpu.memory_space<vmem>> -> memref<128xi32, #tpu.memory_space<vmem>>
      %dma_wait3A_169 = arith.constant 0 : i32
      %dma_wait3A_170 = arith.constant 0 : i32
      %dma_wait3A_171 = tpu.memref_slice %arg3[%dma_wait3A_169, %dma_wait3A_170] : memref<1000000x128xf32, #tpu.memory_space<hbm>> -> memref<1000000x128xf32, #tpu.memory_space<hbm>>
      %dma_wait3A_172 = tpu.memref_slice %arg8[%dma_wait3A_161] : memref<2x!tpu.dma_semaphore, #tpu.memory_space<semaphore_mem>> -> memref<1x!tpu.dma_semaphore, #tpu.memory_space<semaphore_mem>>
      %dma_wait3A_173 = tpu.memref_squeeze %dma_wait3A_172 : memref<1x!tpu.dma_semaphore, #tpu.memory_space<semaphore_mem>> -> memref<!tpu.dma_semaphore, #tpu.memory_space<semaphore_mem>>
      tpu.wait_indirect_dma semaphore(%dma_wait3A_173 : memref<!tpu.dma_semaphore, #tpu.memory_space<semaphore_mem>>) src(%dma_wait3A_171 : memref<1000000x128xf32, #tpu.memory_space<hbm>>) dst(%dma_wait3A_165 : memref<128x128xf32, #tpu.memory_space<vmem>>)
      %add3A_174 = arith.constant 1 : i32
      %add3A_175 = arith.addi %add3A_159, %add3A_174 : i32
      %lt3A_176 = arith.constant 25 : i32
      %lt3A_177 = arith.cmpi slt, %add3A_175, %lt3A_176 : i32
      %convert_element_type3A_178 = arith.extui %lt3A_177 : i1 to i32
      %cond3A_179 = arith.constant 0 : i32
      %cond3A_180 = arith.cmpi ne, %convert_element_type3A_178, %cond3A_179 : i32
      scf.if %cond3A_180 {
        %add3A_213 = arith.constant 1 : i32
        %add3A_214 = arith.addi %add3A_159, %add3A_213 : i32
        %dma_start3A_215 = arith.constant 0 : i32
        %dma_start3A_216 = arith.constant 0 : i32
        %dma_start3A_217 = arith.constant 0 : i32
        %dma_start3A_218 = arith.constant 0 : i32
        %dma_start3A_219 = tpu.memref_slice %arg6[%dma_start3A_215, %dma_start3A_217, %dma_start3A_218] : memref<2x128x128xf32, #tpu.memory_space<vmem>> -> memref<1x128x128xf32, #tpu.memory_space<vmem>>
        %dma_start3A_220 = tpu.memref_squeeze %dma_start3A_219 : memref<1x128x128xf32, #tpu.memory_space<vmem>> -> memref<128x128xf32, #tpu.memory_space<vmem>>
        %dma_start3A_221 = arith.constant 0 : i32
        %dma_start3A_222 = tpu.memref_slice %arg5[%add3A_214, %dma_start3A_221] : memref<25x128xi32, #tpu.memory_space<vmem>> -> memref<1x128xi32, #tpu.memory_space<vmem>>
        %dma_start3A_223 = tpu.memref_squeeze %dma_start3A_222 : memref<1x128xi32, #tpu.memory_space<vmem>> -> memref<128xi32, #tpu.memory_space<vmem>>
        %dma_start3A_224 = arith.constant 0 : i32
        %dma_start3A_225 = arith.constant 0 : i32
        %dma_start3A_226 = tpu.memref_slice %arg3[%dma_start3A_224, %dma_start3A_225] : memref<1000000x128xf32, #tpu.memory_space<hbm>> -> memref<1000000x128xf32, #tpu.memory_space<hbm>>
        %dma_start3A_227 = tpu.memref_slice %arg8[%dma_start3A_216] : memref<2x!tpu.dma_semaphore, #tpu.memory_space<semaphore_mem>> -> memref<1x!tpu.dma_semaphore, #tpu.memory_space<semaphore_mem>>
        %dma_start3A_228 = tpu.memref_squeeze %dma_start3A_227 : memref<1x!tpu.dma_semaphore, #tpu.memory_space<semaphore_mem>> -> memref<!tpu.dma_semaphore, #tpu.memory_space<semaphore_mem>>
        tpu.enqueue_indirect_dma source(%dma_start3A_226 : memref<1000000x128xf32, #tpu.memory_space<hbm>>) target(%dma_start3A_220 : memref<128x128xf32, #tpu.memory_space<vmem>>) offsets(%dma_start3A_223 : memref<128xi32, #tpu.memory_space<vmem>>) semaphore(%dma_start3A_228 : memref<!tpu.dma_semaphore, #tpu.memory_space<semaphore_mem>>)
      } else {
      }
      %ge3A_181 = arith.constant 2 : i32
      %ge3A_182 = arith.cmpi sge, %add3A_159, %ge3A_181 : i32
      %convert_element_type3A_183 = arith.extui %ge3A_182 : i1 to i32
      %cond3A_184 = arith.constant 0 : i32
      %cond3A_185 = arith.cmpi ne, %convert_element_type3A_183, %cond3A_184 : i32
      scf.if %cond3A_185 {
        %dma_wait3A_213 = arith.constant 1 : i32
        %dma_wait3A_214 = arith.constant 1 : i32
        %dma_wait3A_215 = arith.constant 0 : i32
        %dma_wait3A_216 = arith.constant 0 : i32
        %dma_wait3A_217 = tpu.memref_slice %arg7[%dma_wait3A_213, %dma_wait3A_215, %dma_wait3A_216] : memref<2x128x128xbf16, #tpu.memory_space<vmem>> -> memref<1x128x128xbf16, #tpu.memory_space<vmem>>
        %dma_wait3A_218 = tpu.memref_squeeze %dma_wait3A_217 : memref<1x128x128xbf16, #tpu.memory_space<vmem>> -> memref<128x128xbf16, #tpu.memory_space<vmem>>
        %dma_wait3A_219 = arith.constant 0 : i32
        %dma_wait3A_220 = tpu.memref_slice %arg4[%mul3A_2, %dma_wait3A_219] : memref<102400x128xbf16, #tpu.memory_space<hbm>> -> memref<128x128xbf16, #tpu.memory_space<hbm>>
        %dma_wait3A_221 = tpu.memref_slice %arg9[%dma_wait3A_214] : memref<2x!tpu.dma_semaphore, #tpu.memory_space<semaphore_mem>> -> memref<1x!tpu.dma_semaphore, #tpu.memory_space<semaphore_mem>>
        %dma_wait3A_222 = tpu.memref_squeeze %dma_wait3A_221 : memref<1x!tpu.dma_semaphore, #tpu.memory_space<semaphore_mem>> -> memref<!tpu.dma_semaphore, #tpu.memory_space<semaphore_mem>>
        %dma_wait3A_223 = arith.constant 0 : i32
        %dma_wait3A_224 = tpu.memref_slice %arg4[%mul3A_2, %dma_wait3A_223] : memref<102400x128xbf16, #tpu.memory_space<hbm>> -> memref<128x128xbf16, #tpu.memory_space<hbm>>
        %dma_wait3A_225 = arith.constant 0 : i32
        %dma_wait3A_226 = arith.constant 0 : i32
        %dma_wait3A_227 = tpu.memref_slice %arg7[%dma_wait3A_213, %dma_wait3A_225, %dma_wait3A_226] : memref<2x128x128xbf16, #tpu.memory_space<vmem>> -> memref<1x128x128xbf16, #tpu.memory_space<vmem>>
        %dma_wait3A_228 = tpu.memref_squeeze %dma_wait3A_227 : memref<1x128x128xbf16, #tpu.memory_space<vmem>> -> memref<128x128xbf16, #tpu.memory_space<vmem>>
        tpu.wait_dma2 semaphore(%dma_wait3A_222 : memref<!tpu.dma_semaphore, #tpu.memory_space<semaphore_mem>>) src(%dma_wait3A_228 : memref<128x128xbf16, #tpu.memory_space<vmem>>) dst(%dma_wait3A_224 : memref<128x128xbf16, #tpu.memory_space<hbm>>)
      } else {
      }
      %scan3A_186 = arith.constant 0 : i32
      %scan3A_187 = arith.constant 1 : i32
      %scan3A_188 = arith.constant 1 : i32
      %scan3A_189 = arith.constant 0 : i32
      %scan3A_190 = arith.constant 128 : i32
      %scan3A_191 = arith.addi %scan3A_189, %scan3A_190 : i32
      %scan3A_192 = arith.constant 1 : i32
      scf.for %scan3A_213 = %scan3A_189 to %scan3A_191 step %scan3A_192  : i32 {
        %get3A = arith.constant 0 : i32
        %get3A_214 = arith.constant 0 : i32
        %get3A_215 = tpu.memref_slice %arg6[%scan3A_187, %get3A, %get3A_214] : memref<2x128x128xf32, #tpu.memory_space<vmem>> -> memref<1x128x128xf32, #tpu.memory_space<vmem>>
        %get3A_216 = tpu.memref_squeeze %get3A_215 : memref<1x128x128xf32, #tpu.memory_space<vmem>> -> memref<128x128xf32, #tpu.memory_space<vmem>>
        %get3A_217 = arith.index_cast %scan3A_213 : i32 to index
        %get3A_218 = arith.constant 0 : index
        %get3A_219 = tpu.vector_load %get3A_216[%get3A_217, %get3A_218] {strides = array<i32>} : memref<128x128xf32, #tpu.memory_space<vmem>>, vector<16xf32>,
        %get3A_220 = arith.constant 0 : i32
        %get3A_221 = arith.constant 0 : i32
        %get3A_222 = tpu.memref_slice %arg6[%scan3A_187, %get3A_220, %get3A_221] : memref<2x128x128xf32, #tpu.memory_space<vmem>> -> memref<1x128x128xf32, #tpu.memory_space<vmem>>
        %get3A_223 = tpu.memref_squeeze %get3A_222 : memref<1x128x128xf32, #tpu.memory_space<vmem>> -> memref<128x128xf32, #tpu.memory_space<vmem>>
        %get3A_224 = arith.index_cast %scan3A_213 : i32 to index
        %get3A_225 = arith.constant 16 : index
        %get3A_226 = tpu.vector_load %get3A_223[%get3A_224, %get3A_225] {strides = array<i32>} : memref<128x128xf32, #tpu.memory_space<vmem>>, vector<16xf32>,
        %pack3A = tpu.pack_subelements %get3A_219, %get3A_226 {pack_format = #tpu.pack_format<interleaved>, positions = array<i32: 0, 1>} : vector<16xf32>, vector<16xf32> -> vector<32xbf16>
        %swap3A = arith.constant 0 : i32
        %swap3A_227 = arith.constant 0 : i32
        %swap3A_228 = tpu.memref_slice %arg7[%scan3A_188, %swap3A, %swap3A_227] : memref<2x128x128xbf16, #tpu.memory_space<vmem>> -> memref<1x128x128xbf16, #tpu.memory_space<vmem>>
        %swap3A_229 = tpu.memref_squeeze %swap3A_228 : memref<1x128x128xbf16, #tpu.memory_space<vmem>> -> memref<128x128xbf16, #tpu.memory_space<vmem>>
        %swap3A_230 = arith.index_cast %scan3A_213 : i32 to index
        %swap3A_231 = arith.constant 0 : index
        %swap3A_232 = tpu.vector_load %swap3A_229[%swap3A_230, %swap3A_231] {strides = array<i32>} : memref<128x128xbf16, #tpu.memory_space<vmem>>, vector<32xbf16>,
        tpu.vector_store %swap3A_229[%swap3A_230, %swap3A_231], %pack3A {strides = array<i32>} : memref<128x128xbf16, #tpu.memory_space<vmem>>, vector<32xbf16>,
        %get3A_233 = arith.constant 0 : i32
        %get3A_234 = arith.constant 0 : i32
        %get3A_235 = tpu.memref_slice %arg6[%scan3A_187, %get3A_233, %get3A_234] : memref<2x128x128xf32, #tpu.memory_space<vmem>> -> memref<1x128x128xf32, #tpu.memory_space<vmem>>
        %get3A_236 = tpu.memref_squeeze %get3A_235 : memref<1x128x128xf32, #tpu.memory_space<vmem>> -> memref<128x128xf32, #tpu.memory_space<vmem>>
        %get3A_237 = arith.index_cast %scan3A_213 : i32 to index
        %get3A_238 = arith.constant 32 : index
        %get3A_239 = tpu.vector_load %get3A_236[%get3A_237, %get3A_238] {strides = array<i32>} : memref<128x128xf32, #tpu.memory_space<vmem>>, vector<16xf32>,
        %get3A_240 = arith.constant 0 : i32
        %get3A_241 = arith.constant 0 : i32
        %get3A_242 = tpu.memref_slice %arg6[%scan3A_187, %get3A_240, %get3A_241] : memref<2x128x128xf32, #tpu.memory_space<vmem>> -> memref<1x128x128xf32, #tpu.memory_space<vmem>>
        %get3A_243 = tpu.memref_squeeze %get3A_242 : memref<1x128x128xf32, #tpu.memory_space<vmem>> -> memref<128x128xf32, #tpu.memory_space<vmem>>
        %get3A_244 = arith.index_cast %scan3A_213 : i32 to index
        %get3A_245 = arith.constant 48 : index
        %get3A_246 = tpu.vector_load %get3A_243[%get3A_244, %get3A_245] {strides = array<i32>} : memref<128x128xf32, #tpu.memory_space<vmem>>, vector<16xf32>,
        %pack3A_247 = tpu.pack_subelements %get3A_239, %get3A_246 {pack_format = #tpu.pack_format<interleaved>, positions = array<i32: 0, 1>} : vector<16xf32>, vector<16xf32> -> vector<32xbf16>
        %swap3A_248 = arith.constant 0 : i32
        %swap3A_249 = arith.constant 0 : i32
        %swap3A_250 = tpu.memref_slice %arg7[%scan3A_188, %swap3A_248, %swap3A_249] : memref<2x128x128xbf16, #tpu.memory_space<vmem>> -> memref<1x128x128xbf16, #tpu.memory_space<vmem>>
        %swap3A_251 = tpu.memref_squeeze %swap3A_250 : memref<1x128x128xbf16, #tpu.memory_space<vmem>> -> memref<128x128xbf16, #tpu.memory_space<vmem>>
        %swap3A_252 = arith.index_cast %scan3A_213 : i32 to index
        %swap3A_253 = arith.constant 32 : index
        %swap3A_254 = tpu.vector_load %swap3A_251[%swap3A_252, %swap3A_253] {strides = array<i32>} : memref<128x128xbf16, #tpu.memory_space<vmem>>, vector<32xbf16>,
        tpu.vector_store %swap3A_251[%swap3A_252, %swap3A_253], %pack3A_247 {strides = array<i32>} : memref<128x128xbf16, #tpu.memory_space<vmem>>, vector<32xbf16>,
        %get3A_255 = arith.constant 0 : i32
        %get3A_256 = arith.constant 0 : i32
        %get3A_257 = tpu.memref_slice %arg6[%scan3A_187, %get3A_255, %get3A_256] : memref<2x128x128xf32, #tpu.memory_space<vmem>> -> memref<1x128x128xf32, #tpu.memory_space<vmem>>
        %get3A_258 = tpu.memref_squeeze %get3A_257 : memref<1x128x128xf32, #tpu.memory_space<vmem>> -> memref<128x128xf32, #tpu.memory_space<vmem>>
        %get3A_259 = arith.index_cast %scan3A_213 : i32 to index
        %get3A_260 = arith.constant 64 : index
        %get3A_261 = tpu.vector_load %get3A_258[%get3A_259, %get3A_260] {strides = array<i32>} : memref<128x128xf32, #tpu.memory_space<vmem>>, vector<16xf32>,
        %get3A_262 = arith.constant 0 : i32
        %get3A_263 = arith.constant 0 : i32
        %get3A_264 = tpu.memref_slice %arg6[%scan3A_187, %get3A_262, %get3A_263] : memref<2x128x128xf32, #tpu.memory_space<vmem>> -> memref<1x128x128xf32, #tpu.memory_space<vmem>>
        %get3A_265 = tpu.memref_squeeze %get3A_264 : memref<1x128x128xf32, #tpu.memory_space<vmem>> -> memref<128x128xf32, #tpu.memory_space<vmem>>
        %get3A_266 = arith.index_cast %scan3A_213 : i32 to index
        %get3A_267 = arith.constant 80 : index
        %get3A_268 = tpu.vector_load %get3A_265[%get3A_266, %get3A_267] {strides = array<i32>} : memref<128x128xf32, #tpu.memory_space<vmem>>, vector<16xf32>,
        %pack3A_269 = tpu.pack_subelements %get3A_261, %get3A_268 {pack_format = #tpu.pack_format<interleaved>, positions = array<i32: 0, 1>} : vector<16xf32>, vector<16xf32> -> vector<32xbf16>
        %swap3A_270 = arith.constant 0 : i32
        %swap3A_271 = arith.constant 0 : i32
        %swap3A_272 = tpu.memref_slice %arg7[%scan3A_188, %swap3A_270, %swap3A_271] : memref<2x128x128xbf16, #tpu.memory_space<vmem>> -> memref<1x128x128xbf16, #tpu.memory_space<vmem>>
        %swap3A_273 = tpu.memref_squeeze %swap3A_272 : memref<1x128x128xbf16, #tpu.memory_space<vmem>> -> memref<128x128xbf16, #tpu.memory_space<vmem>>
        %swap3A_274 = arith.index_cast %scan3A_213 : i32 to index
        %swap3A_275 = arith.constant 64 : index
        %swap3A_276 = tpu.vector_load %swap3A_273[%swap3A_274, %swap3A_275] {strides = array<i32>} : memref<128x128xbf16, #tpu.memory_space<vmem>>, vector<32xbf16>,
        tpu.vector_store %swap3A_273[%swap3A_274, %swap3A_275], %pack3A_269 {strides = array<i32>} : memref<128x128xbf16, #tpu.memory_space<vmem>>, vector<32xbf16>,
        %get3A_277 = arith.constant 0 : i32
        %get3A_278 = arith.constant 0 : i32
        %get3A_279 = tpu.memref_slice %arg6[%scan3A_187, %get3A_277, %get3A_278] : memref<2x128x128xf32, #tpu.memory_space<vmem>> -> memref<1x128x128xf32, #tpu.memory_space<vmem>>
        %get3A_280 = tpu.memref_squeeze %get3A_279 : memref<1x128x128xf32, #tpu.memory_space<vmem>> -> memref<128x128xf32, #tpu.memory_space<vmem>>
        %get3A_281 = arith.index_cast %scan3A_213 : i32 to index
        %get3A_282 = arith.constant 96 : index
        %get3A_283 = tpu.vector_load %get3A_280[%get3A_281, %get3A_282] {strides = array<i32>} : memref<128x128xf32, #tpu.memory_space<vmem>>, vector<16xf32>,
        %get3A_284 = arith.constant 0 : i32
        %get3A_285 = arith.constant 0 : i32
        %get3A_286 = tpu.memref_slice %arg6[%scan3A_187, %get3A_284, %get3A_285] : memref<2x128x128xf32, #tpu.memory_space<vmem>> -> memref<1x128x128xf32, #tpu.memory_space<vmem>>
        %get3A_287 = tpu.memref_squeeze %get3A_286 : memref<1x128x128xf32, #tpu.memory_space<vmem>> -> memref<128x128xf32, #tpu.memory_space<vmem>>
        %get3A_288 = arith.index_cast %scan3A_213 : i32 to index
        %get3A_289 = arith.constant 112 : index
        %get3A_290 = tpu.vector_load %get3A_287[%get3A_288, %get3A_289] {strides = array<i32>} : memref<128x128xf32, #tpu.memory_space<vmem>>, vector<16xf32>,
        %pack3A_291 = tpu.pack_subelements %get3A_283, %get3A_290 {pack_format = #tpu.pack_format<interleaved>, positions = array<i32: 0, 1>} : vector<16xf32>, vector<16xf32> -> vector<32xbf16>
        %swap3A_292 = arith.constant 0 : i32
        %swap3A_293 = arith.constant 0 : i32
        %swap3A_294 = tpu.memref_slice %arg7[%scan3A_188, %swap3A_292, %swap3A_293] : memref<2x128x128xbf16, #tpu.memory_space<vmem>> -> memref<1x128x128xbf16, #tpu.memory_space<vmem>>
        %swap3A_295 = tpu.memref_squeeze %swap3A_294 : memref<1x128x128xbf16, #tpu.memory_space<vmem>> -> memref<128x128xbf16, #tpu.memory_space<vmem>>
        %swap3A_296 = arith.index_cast %scan3A_213 : i32 to index
        %swap3A_297 = arith.constant 96 : index
        %swap3A_298 = tpu.vector_load %swap3A_295[%swap3A_296, %swap3A_297] {strides = array<i32>} : memref<128x128xbf16, #tpu.memory_space<vmem>>, vector<32xbf16>,
        tpu.vector_store %swap3A_295[%swap3A_296, %swap3A_297], %pack3A_291 {strides = array<i32>} : memref<128x128xbf16, #tpu.memory_space<vmem>>, vector<32xbf16>,
      }
      %scan3A_193 = arith.constant 128 : i32
      %mul3A_194 = arith.constant 128 : i32
      %mul3A_195 = arith.muli %add3A_159, %mul3A_194 : i32
      %add3A_196 = arith.addi %mul3A_2, %mul3A_195 : i32
      %dma_start3A_197 = arith.constant 1 : i32
      %dma_start3A_198 = arith.constant 1 : i32
      %dma_start3A_199 = arith.constant 0 : i32
      %dma_start3A_200 = arith.constant 0 : i32
      %dma_start3A_201 = tpu.memref_slice %arg7[%dma_start3A_197, %dma_start3A_199, %dma_start3A_200] : memref<2x128x128xbf16, #tpu.memory_space<vmem>> -> memref<1x128x128xbf16, #tpu.memory_space<vmem>>
      %dma_start3A_202 = tpu.memref_squeeze %dma_start3A_201 : memref<1x128x128xbf16, #tpu.memory_space<vmem>> -> memref<128x128xbf16, #tpu.memory_space<vmem>>
      %dma_start3A_203 = arith.constant 0 : i32
      %dma_start3A_204 = tpu.memref_slice %arg4[%add3A_196, %dma_start3A_203] : memref<102400x128xbf16, #tpu.memory_space<hbm>> -> memref<128x128xbf16, #tpu.memory_space<hbm>>
      %dma_start3A_205 = tpu.memref_slice %arg9[%dma_start3A_198] : memref<2x!tpu.dma_semaphore, #tpu.memory_space<semaphore_mem>> -> memref<1x!tpu.dma_semaphore, #tpu.memory_space<semaphore_mem>>
      %dma_start3A_206 = tpu.memref_squeeze %dma_start3A_205 : memref<1x!tpu.dma_semaphore, #tpu.memory_space<semaphore_mem>> -> memref<!tpu.dma_semaphore, #tpu.memory_space<semaphore_mem>>
      %dma_start3A_207 = arith.constant 0 : i32
      %dma_start3A_208 = tpu.memref_slice %arg4[%add3A_196, %dma_start3A_207] : memref<102400x128xbf16, #tpu.memory_space<hbm>> -> memref<128x128xbf16, #tpu.memory_space<hbm>>
      %dma_start3A_209 = arith.constant 0 : i32
      %dma_start3A_210 = arith.constant 0 : i32
      %dma_start3A_211 = tpu.memref_slice %arg7[%dma_start3A_197, %dma_start3A_209, %dma_start3A_210] : memref<2x128x128xbf16, #tpu.memory_space<vmem>> -> memref<1x128x128xbf16, #tpu.memory_space<vmem>>
      %dma_start3A_212 = tpu.memref_squeeze %dma_start3A_211 : memref<1x128x128xbf16, #tpu.memory_space<vmem>> -> memref<128x128xbf16, #tpu.memory_space<vmem>>
      tpu.enqueue_dma source(%dma_start3A_212 : memref<128x128xbf16, #tpu.memory_space<vmem>>) target(%dma_start3A_208 : memref<128x128xbf16, #tpu.memory_space<hbm>>) target_semaphore(%dma_start3A_206 : memref<!tpu.dma_semaphore, #tpu.memory_space<semaphore_mem>>)
    }
    %scan3A_21 = arith.constant 12 : i32
    %dma_wait3A = arith.constant 24 : i32
    %dma_wait3A_22 = arith.constant 0 : i32
    %dma_wait3A_23 = arith.constant 0 : i32
    %dma_wait3A_24 = arith.constant 0 : i32
    %dma_wait3A_25 = arith.constant 0 : i32
    %dma_wait3A_26 = tpu.memref_slice %arg6[%dma_wait3A_22, %dma_wait3A_24, %dma_wait3A_25] : memref<2x128x128xf32, #tpu.memory_space<vmem>> -> memref<1x128x128xf32, #tpu.memory_space<vmem>>
    %dma_wait3A_27 = tpu.memref_squeeze %dma_wait3A_26 : memref<1x128x128xf32, #tpu.memory_space<vmem>> -> memref<128x128xf32, #tpu.memory_space<vmem>>
    %dma_wait3A_28 = arith.constant 0 : i32
    %dma_wait3A_29 = tpu.memref_slice %arg5[%dma_wait3A, %dma_wait3A_28] : memref<25x128xi32, #tpu.memory_space<vmem>> -> memref<1x128xi32, #tpu.memory_space<vmem>>
    %dma_wait3A_30 = tpu.memref_squeeze %dma_wait3A_29 : memref<1x128xi32, #tpu.memory_space<vmem>> -> memref<128xi32, #tpu.memory_space<vmem>>
    %dma_wait3A_31 = arith.constant 0 : i32
    %dma_wait3A_32 = arith.constant 0 : i32
    %dma_wait3A_33 = tpu.memref_slice %arg3[%dma_wait3A_31, %dma_wait3A_32] : memref<1000000x128xf32, #tpu.memory_space<hbm>> -> memref<1000000x128xf32, #tpu.memory_space<hbm>>
    %dma_wait3A_34 = tpu.memref_slice %arg8[%dma_wait3A_23] : memref<2x!tpu.dma_semaphore, #tpu.memory_space<semaphore_mem>> -> memref<1x!tpu.dma_semaphore, #tpu.memory_space<semaphore_mem>>
    %dma_wait3A_35 = tpu.memref_squeeze %dma_wait3A_34 : memref<1x!tpu.dma_semaphore, #tpu.memory_space<semaphore_mem>> -> memref<!tpu.dma_semaphore, #tpu.memory_space<semaphore_mem>>
    tpu.wait_indirect_dma semaphore(%dma_wait3A_35 : memref<!tpu.dma_semaphore, #tpu.memory_space<semaphore_mem>>) src(%dma_wait3A_33 : memref<1000000x128xf32, #tpu.memory_space<hbm>>) dst(%dma_wait3A_27 : memref<128x128xf32, #tpu.memory_space<vmem>>)
    %ge3A = arith.constant 24 : i32
    %ge3A_36 = arith.constant 2 : i32
    %ge3A_37 = arith.cmpi sge, %ge3A, %ge3A_36 : i32
    %convert_element_type3A = arith.extui %ge3A_37 : i1 to i32
    %cond3A = arith.constant 0 : i32
    %cond3A_38 = arith.cmpi ne, %convert_element_type3A, %cond3A : i32
    scf.if %cond3A_38 {
      %dma_wait3A_99 = arith.constant 0 : i32
      %dma_wait3A_100 = arith.constant 0 : i32
      %dma_wait3A_101 = arith.constant 0 : i32
      %dma_wait3A_102 = arith.constant 0 : i32
      %dma_wait3A_103 = tpu.memref_slice %arg7[%dma_wait3A_99, %dma_wait3A_101, %dma_wait3A_102] : memref<2x128x128xbf16, #tpu.memory_space<vmem>> -> memref<1x128x128xbf16, #tpu.memory_space<vmem>>
      %dma_wait3A_104 = tpu.memref_squeeze %dma_wait3A_103 : memref<1x128x128xbf16, #tpu.memory_space<vmem>> -> memref<128x128xbf16, #tpu.memory_space<vmem>>
      %dma_wait3A_105 = arith.constant 0 : i32
      %dma_wait3A_106 = tpu.memref_slice %arg4[%mul3A_2, %dma_wait3A_105] : memref<102400x128xbf16, #tpu.memory_space<hbm>> -> memref<128x128xbf16, #tpu.memory_space<hbm>>
      %dma_wait3A_107 = tpu.memref_slice %arg9[%dma_wait3A_100] : memref<2x!tpu.dma_semaphore, #tpu.memory_space<semaphore_mem>> -> memref<1x!tpu.dma_semaphore, #tpu.memory_space<semaphore_mem>>
      %dma_wait3A_108 = tpu.memref_squeeze %dma_wait3A_107 : memref<1x!tpu.dma_semaphore, #tpu.memory_space<semaphore_mem>> -> memref<!tpu.dma_semaphore, #tpu.memory_space<semaphore_mem>>
      %dma_wait3A_109 = arith.constant 0 : i32
      %dma_wait3A_110 = tpu.memref_slice %arg4[%mul3A_2, %dma_wait3A_109] : memref<102400x128xbf16, #tpu.memory_space<hbm>> -> memref<128x128xbf16, #tpu.memory_space<hbm>>
      %dma_wait3A_111 = arith.constant 0 : i32
      %dma_wait3A_112 = arith.constant 0 : i32
      %dma_wait3A_113 = tpu.memref_slice %arg7[%dma_wait3A_99, %dma_wait3A_111, %dma_wait3A_112] : memref<2x128x128xbf16, #tpu.memory_space<vmem>> -> memref<1x128x128xbf16, #tpu.memory_space<vmem>>
      %dma_wait3A_114 = tpu.memref_squeeze %dma_wait3A_113 : memref<1x128x128xbf16, #tpu.memory_space<vmem>> -> memref<128x128xbf16, #tpu.memory_space<vmem>>
      tpu.wait_dma2 semaphore(%dma_wait3A_108 : memref<!tpu.dma_semaphore, #tpu.memory_space<semaphore_mem>>) src(%dma_wait3A_114 : memref<128x128xbf16, #tpu.memory_space<vmem>>) dst(%dma_wait3A_110 : memref<128x128xbf16, #tpu.memory_space<hbm>>)
    } else {
    }
    %scan3A_39 = arith.constant 0 : i32
    %scan3A_40 = arith.constant 0 : i32
    %scan3A_41 = arith.constant 0 : i32
    %scan3A_42 = arith.constant 0 : i32
    %scan3A_43 = arith.constant 128 : i32
    %scan3A_44 = arith.addi %scan3A_42, %scan3A_43 : i32
    %scan3A_45 = arith.constant 1 : i32
    scf.for %scan3A_99 = %scan3A_42 to %scan3A_44 step %scan3A_45  : i32 {
      %get3A = arith.constant 0 : i32
      %get3A_100 = arith.constant 0 : i32
      %get3A_101 = tpu.memref_slice %arg6[%scan3A_40, %get3A, %get3A_100] : memref<2x128x128xf32, #tpu.memory_space<vmem>> -> memref<1x128x128xf32, #tpu.memory_space<vmem>>
      %get3A_102 = tpu.memref_squeeze %get3A_101 : memref<1x128x128xf32, #tpu.memory_space<vmem>> -> memref<128x128xf32, #tpu.memory_space<vmem>>
      %get3A_103 = arith.index_cast %scan3A_99 : i32 to index
      %get3A_104 = arith.constant 0 : index
      %get3A_105 = tpu.vector_load %get3A_102[%get3A_103, %get3A_104] {strides = array<i32>} : memref<128x128xf32, #tpu.memory_space<vmem>>, vector<16xf32>,
      %get3A_106 = arith.constant 0 : i32
      %get3A_107 = arith.constant 0 : i32
      %get3A_108 = tpu.memref_slice %arg6[%scan3A_40, %get3A_106, %get3A_107] : memref<2x128x128xf32, #tpu.memory_space<vmem>> -> memref<1x128x128xf32, #tpu.memory_space<vmem>>
      %get3A_109 = tpu.memref_squeeze %get3A_108 : memref<1x128x128xf32, #tpu.memory_space<vmem>> -> memref<128x128xf32, #tpu.memory_space<vmem>>
      %get3A_110 = arith.index_cast %scan3A_99 : i32 to index
      %get3A_111 = arith.constant 16 : index
      %get3A_112 = tpu.vector_load %get3A_109[%get3A_110, %get3A_111] {strides = array<i32>} : memref<128x128xf32, #tpu.memory_space<vmem>>, vector<16xf32>,
      %pack3A = tpu.pack_subelements %get3A_105, %get3A_112 {pack_format = #tpu.pack_format<interleaved>, positions = array<i32: 0, 1>} : vector<16xf32>, vector<16xf32> -> vector<32xbf16>
      %swap3A = arith.constant 0 : i32
      %swap3A_113 = arith.constant 0 : i32
      %swap3A_114 = tpu.memref_slice %arg7[%scan3A_41, %swap3A, %swap3A_113] : memref<2x128x128xbf16, #tpu.memory_space<vmem>> -> memref<1x128x128xbf16, #tpu.memory_space<vmem>>
      %swap3A_115 = tpu.memref_squeeze %swap3A_114 : memref<1x128x128xbf16, #tpu.memory_space<vmem>> -> memref<128x128xbf16, #tpu.memory_space<vmem>>
      %swap3A_116 = arith.index_cast %scan3A_99 : i32 to index
      %swap3A_117 = arith.constant 0 : index
      %swap3A_118 = tpu.vector_load %swap3A_115[%swap3A_116, %swap3A_117] {strides = array<i32>} : memref<128x128xbf16, #tpu.memory_space<vmem>>, vector<32xbf16>,
      tpu.vector_store %swap3A_115[%swap3A_116, %swap3A_117], %pack3A {strides = array<i32>} : memref<128x128xbf16, #tpu.memory_space<vmem>>, vector<32xbf16>,
      %get3A_119 = arith.constant 0 : i32
      %get3A_120 = arith.constant 0 : i32
      %get3A_121 = tpu.memref_slice %arg6[%scan3A_40, %get3A_119, %get3A_120] : memref<2x128x128xf32, #tpu.memory_space<vmem>> -> memref<1x128x128xf32, #tpu.memory_space<vmem>>
      %get3A_122 = tpu.memref_squeeze %get3A_121 : memref<1x128x128xf32, #tpu.memory_space<vmem>> -> memref<128x128xf32, #tpu.memory_space<vmem>>
      %get3A_123 = arith.index_cast %scan3A_99 : i32 to index
      %get3A_124 = arith.constant 32 : index
      %get3A_125 = tpu.vector_load %get3A_122[%get3A_123, %get3A_124] {strides = array<i32>} : memref<128x128xf32, #tpu.memory_space<vmem>>, vector<16xf32>,
      %get3A_126 = arith.constant 0 : i32
      %get3A_127 = arith.constant 0 : i32
      %get3A_128 = tpu.memref_slice %arg6[%scan3A_40, %get3A_126, %get3A_127] : memref<2x128x128xf32, #tpu.memory_space<vmem>> -> memref<1x128x128xf32, #tpu.memory_space<vmem>>
      %get3A_129 = tpu.memref_squeeze %get3A_128 : memref<1x128x128xf32, #tpu.memory_space<vmem>> -> memref<128x128xf32, #tpu.memory_space<vmem>>
      %get3A_130 = arith.index_cast %scan3A_99 : i32 to index
      %get3A_131 = arith.constant 48 : index
      %get3A_132 = tpu.vector_load %get3A_129[%get3A_130, %get3A_131] {strides = array<i32>} : memref<128x128xf32, #tpu.memory_space<vmem>>, vector<16xf32>,
      %pack3A_133 = tpu.pack_subelements %get3A_125, %get3A_132 {pack_format = #tpu.pack_format<interleaved>, positions = array<i32: 0, 1>} : vector<16xf32>, vector<16xf32> -> vector<32xbf16>
      %swap3A_134 = arith.constant 0 : i32
      %swap3A_135 = arith.constant 0 : i32
      %swap3A_136 = tpu.memref_slice %arg7[%scan3A_41, %swap3A_134, %swap3A_135] : memref<2x128x128xbf16, #tpu.memory_space<vmem>> -> memref<1x128x128xbf16, #tpu.memory_space<vmem>>
      %swap3A_137 = tpu.memref_squeeze %swap3A_136 : memref<1x128x128xbf16, #tpu.memory_space<vmem>> -> memref<128x128xbf16, #tpu.memory_space<vmem>>
      %swap3A_138 = arith.index_cast %scan3A_99 : i32 to index
      %swap3A_139 = arith.constant 32 : index
      %swap3A_140 = tpu.vector_load %swap3A_137[%swap3A_138, %swap3A_139] {strides = array<i32>} : memref<128x128xbf16, #tpu.memory_space<vmem>>, vector<32xbf16>,
      tpu.vector_store %swap3A_137[%swap3A_138, %swap3A_139], %pack3A_133 {strides = array<i32>} : memref<128x128xbf16, #tpu.memory_space<vmem>>, vector<32xbf16>,
      %get3A_141 = arith.constant 0 : i32
      %get3A_142 = arith.constant 0 : i32
      %get3A_143 = tpu.memref_slice %arg6[%scan3A_40, %get3A_141, %get3A_142] : memref<2x128x128xf32, #tpu.memory_space<vmem>> -> memref<1x128x128xf32, #tpu.memory_space<vmem>>
      %get3A_144 = tpu.memref_squeeze %get3A_143 : memref<1x128x128xf32, #tpu.memory_space<vmem>> -> memref<128x128xf32, #tpu.memory_space<vmem>>
      %get3A_145 = arith.index_cast %scan3A_99 : i32 to index
      %get3A_146 = arith.constant 64 : index
      %get3A_147 = tpu.vector_load %get3A_144[%get3A_145, %get3A_146] {strides = array<i32>} : memref<128x128xf32, #tpu.memory_space<vmem>>, vector<16xf32>,
      %get3A_148 = arith.constant 0 : i32
      %get3A_149 = arith.constant 0 : i32
      %get3A_150 = tpu.memref_slice %arg6[%scan3A_40, %get3A_148, %get3A_149] : memref<2x128x128xf32, #tpu.memory_space<vmem>> -> memref<1x128x128xf32, #tpu.memory_space<vmem>>
      %get3A_151 = tpu.memref_squeeze %get3A_150 : memref<1x128x128xf32, #tpu.memory_space<vmem>> -> memref<128x128xf32, #tpu.memory_space<vmem>>
      %get3A_152 = arith.index_cast %scan3A_99 : i32 to index
      %get3A_153 = arith.constant 80 : index
      %get3A_154 = tpu.vector_load %get3A_151[%get3A_152, %get3A_153] {strides = array<i32>} : memref<128x128xf32, #tpu.memory_space<vmem>>, vector<16xf32>,
      %pack3A_155 = tpu.pack_subelements %get3A_147, %get3A_154 {pack_format = #tpu.pack_format<interleaved>, positions = array<i32: 0, 1>} : vector<16xf32>, vector<16xf32> -> vector<32xbf16>
      %swap3A_156 = arith.constant 0 : i32
      %swap3A_157 = arith.constant 0 : i32
      %swap3A_158 = tpu.memref_slice %arg7[%scan3A_41, %swap3A_156, %swap3A_157] : memref<2x128x128xbf16, #tpu.memory_space<vmem>> -> memref<1x128x128xbf16, #tpu.memory_space<vmem>>
      %swap3A_159 = tpu.memref_squeeze %swap3A_158 : memref<1x128x128xbf16, #tpu.memory_space<vmem>> -> memref<128x128xbf16, #tpu.memory_space<vmem>>
      %swap3A_160 = arith.index_cast %scan3A_99 : i32 to index
      %swap3A_161 = arith.constant 64 : index
      %swap3A_162 = tpu.vector_load %swap3A_159[%swap3A_160, %swap3A_161] {strides = array<i32>} : memref<128x128xbf16, #tpu.memory_space<vmem>>, vector<32xbf16>,
      tpu.vector_store %swap3A_159[%swap3A_160, %swap3A_161], %pack3A_155 {strides = array<i32>} : memref<128x128xbf16, #tpu.memory_space<vmem>>, vector<32xbf16>,
      %get3A_163 = arith.constant 0 : i32
      %get3A_164 = arith.constant 0 : i32
      %get3A_165 = tpu.memref_slice %arg6[%scan3A_40, %get3A_163, %get3A_164] : memref<2x128x128xf32, #tpu.memory_space<vmem>> -> memref<1x128x128xf32, #tpu.memory_space<vmem>>
      %get3A_166 = tpu.memref_squeeze %get3A_165 : memref<1x128x128xf32, #tpu.memory_space<vmem>> -> memref<128x128xf32, #tpu.memory_space<vmem>>
      %get3A_167 = arith.index_cast %scan3A_99 : i32 to index
      %get3A_168 = arith.constant 96 : index
      %get3A_169 = tpu.vector_load %get3A_166[%get3A_167, %get3A_168] {strides = array<i32>} : memref<128x128xf32, #tpu.memory_space<vmem>>, vector<16xf32>,
      %get3A_170 = arith.constant 0 : i32
      %get3A_171 = arith.constant 0 : i32
      %get3A_172 = tpu.memref_slice %arg6[%scan3A_40, %get3A_170, %get3A_171] : memref<2x128x128xf32, #tpu.memory_space<vmem>> -> memref<1x128x128xf32, #tpu.memory_space<vmem>>
      %get3A_173 = tpu.memref_squeeze %get3A_172 : memref<1x128x128xf32, #tpu.memory_space<vmem>> -> memref<128x128xf32, #tpu.memory_space<vmem>>
      %get3A_174 = arith.index_cast %scan3A_99 : i32 to index
      %get3A_175 = arith.constant 112 : index
      %get3A_176 = tpu.vector_load %get3A_173[%get3A_174, %get3A_175] {strides = array<i32>} : memref<128x128xf32, #tpu.memory_space<vmem>>, vector<16xf32>,
      %pack3A_177 = tpu.pack_subelements %get3A_169, %get3A_176 {pack_format = #tpu.pack_format<interleaved>, positions = array<i32: 0, 1>} : vector<16xf32>, vector<16xf32> -> vector<32xbf16>
      %swap3A_178 = arith.constant 0 : i32
      %swap3A_179 = arith.constant 0 : i32
      %swap3A_180 = tpu.memref_slice %arg7[%scan3A_41, %swap3A_178, %swap3A_179] : memref<2x128x128xbf16, #tpu.memory_space<vmem>> -> memref<1x128x128xbf16, #tpu.memory_space<vmem>>
      %swap3A_181 = tpu.memref_squeeze %swap3A_180 : memref<1x128x128xbf16, #tpu.memory_space<vmem>> -> memref<128x128xbf16, #tpu.memory_space<vmem>>
      %swap3A_182 = arith.index_cast %scan3A_99 : i32 to index
      %swap3A_183 = arith.constant 96 : index
      %swap3A_184 = tpu.vector_load %swap3A_181[%swap3A_182, %swap3A_183] {strides = array<i32>} : memref<128x128xbf16, #tpu.memory_space<vmem>>, vector<32xbf16>,
      tpu.vector_store %swap3A_181[%swap3A_182, %swap3A_183], %pack3A_177 {strides = array<i32>} : memref<128x128xbf16, #tpu.memory_space<vmem>>, vector<32xbf16>,
    }
    %scan3A_46 = arith.constant 128 : i32
    %mul3A_47 = arith.constant 24 : i32
    %mul3A_48 = arith.constant 128 : i32
    %mul3A_49 = arith.muli %mul3A_47, %mul3A_48 : i32
    %add3A_50 = arith.addi %mul3A_2, %mul3A_49 : i32
    %dma_start3A_51 = arith.constant 0 : i32
    %dma_start3A_52 = arith.constant 0 : i32
    %dma_start3A_53 = arith.constant 0 : i32
    %dma_start3A_54 = arith.constant 0 : i32
    %dma_start3A_55 = tpu.memref_slice %arg7[%dma_start3A_51, %dma_start3A_53, %dma_start3A_54] : memref<2x128x128xbf16, #tpu.memory_space<vmem>> -> memref<1x128x128xbf16, #tpu.memory_space<vmem>>
    %dma_start3A_56 = tpu.memref_squeeze %dma_start3A_55 : memref<1x128x128xbf16, #tpu.memory_space<vmem>> -> memref<128x128xbf16, #tpu.memory_space<vmem>>
    %dma_start3A_57 = arith.constant 0 : i32
    %dma_start3A_58 = tpu.memref_slice %arg4[%add3A_50, %dma_start3A_57] : memref<102400x128xbf16, #tpu.memory_space<hbm>> -> memref<128x128xbf16, #tpu.memory_space<hbm>>
    %dma_start3A_59 = tpu.memref_slice %arg9[%dma_start3A_52] : memref<2x!tpu.dma_semaphore, #tpu.memory_space<semaphore_mem>> -> memref<1x!tpu.dma_semaphore, #tpu.memory_space<semaphore_mem>>
    %dma_start3A_60 = tpu.memref_squeeze %dma_start3A_59 : memref<1x!tpu.dma_semaphore, #tpu.memory_space<semaphore_mem>> -> memref<!tpu.dma_semaphore, #tpu.memory_space<semaphore_mem>>
    %dma_start3A_61 = arith.constant 0 : i32
    %dma_start3A_62 = tpu.memref_slice %arg4[%add3A_50, %dma_start3A_61] : memref<102400x128xbf16, #tpu.memory_space<hbm>> -> memref<128x128xbf16, #tpu.memory_space<hbm>>
    %dma_start3A_63 = arith.constant 0 : i32
    %dma_start3A_64 = arith.constant 0 : i32
    %dma_start3A_65 = tpu.memref_slice %arg7[%dma_start3A_51, %dma_start3A_63, %dma_start3A_64] : memref<2x128x128xbf16, #tpu.memory_space<vmem>> -> memref<1x128x128xbf16, #tpu.memory_space<vmem>>
    %dma_start3A_66 = tpu.memref_squeeze %dma_start3A_65 : memref<1x128x128xbf16, #tpu.memory_space<vmem>> -> memref<128x128xbf16, #tpu.memory_space<vmem>>
    tpu.enqueue_dma source(%dma_start3A_66 : memref<128x128xbf16, #tpu.memory_space<vmem>>) target(%dma_start3A_62 : memref<128x128xbf16, #tpu.memory_space<hbm>>) target_semaphore(%dma_start3A_60 : memref<!tpu.dma_semaphore, #tpu.memory_space<semaphore_mem>>)
    %dma_wait3A_67 = arith.constant 0 : i32
    %dma_wait3A_68 = arith.constant 0 : i32
    %dma_wait3A_69 = arith.constant 0 : i32
    %dma_wait3A_70 = arith.constant 0 : i32
    %dma_wait3A_71 = tpu.memref_slice %arg7[%dma_wait3A_67, %dma_wait3A_69, %dma_wait3A_70] : memref<2x128x128xbf16, #tpu.memory_space<vmem>> -> memref<1x128x128xbf16, #tpu.memory_space<vmem>>
    %dma_wait3A_72 = tpu.memref_squeeze %dma_wait3A_71 : memref<1x128x128xbf16, #tpu.memory_space<vmem>> -> memref<128x128xbf16, #tpu.memory_space<vmem>>
    %dma_wait3A_73 = arith.constant 0 : i32
    %dma_wait3A_74 = tpu.memref_slice %arg4[%mul3A_2, %dma_wait3A_73] : memref<102400x128xbf16, #tpu.memory_space<hbm>> -> memref<128x128xbf16, #tpu.memory_space<hbm>>
    %dma_wait3A_75 = tpu.memref_slice %arg9[%dma_wait3A_68] : memref<2x!tpu.dma_semaphore, #tpu.memory_space<semaphore_mem>> -> memref<1x!tpu.dma_semaphore, #tpu.memory_space<semaphore_mem>>
    %dma_wait3A_76 = tpu.memref_squeeze %dma_wait3A_75 : memref<1x!tpu.dma_semaphore, #tpu.memory_space<semaphore_mem>> -> memref<!tpu.dma_semaphore, #tpu.memory_space<semaphore_mem>>
    %dma_wait3A_77 = arith.constant 0 : i32
    %dma_wait3A_78 = tpu.memref_slice %arg4[%mul3A_2, %dma_wait3A_77] : memref<102400x128xbf16, #tpu.memory_space<hbm>> -> memref<128x128xbf16, #tpu.memory_space<hbm>>
    %dma_wait3A_79 = arith.constant 0 : i32
    %dma_wait3A_80 = arith.constant 0 : i32
    %dma_wait3A_81 = tpu.memref_slice %arg7[%dma_wait3A_67, %dma_wait3A_79, %dma_wait3A_80] : memref<2x128x128xbf16, #tpu.memory_space<vmem>> -> memref<1x128x128xbf16, #tpu.memory_space<vmem>>
    %dma_wait3A_82 = tpu.memref_squeeze %dma_wait3A_81 : memref<1x128x128xbf16, #tpu.memory_space<vmem>> -> memref<128x128xbf16, #tpu.memory_space<vmem>>
    tpu.wait_dma2 semaphore(%dma_wait3A_76 : memref<!tpu.dma_semaphore, #tpu.memory_space<semaphore_mem>>) src(%dma_wait3A_82 : memref<128x128xbf16, #tpu.memory_space<vmem>>) dst(%dma_wait3A_78 : memref<128x128xbf16, #tpu.memory_space<hbm>>)
    %dma_wait3A_83 = arith.constant 1 : i32
    %dma_wait3A_84 = arith.constant 1 : i32
    %dma_wait3A_85 = arith.constant 0 : i32
    %dma_wait3A_86 = arith.constant 0 : i32
    %dma_wait3A_87 = tpu.memref_slice %arg7[%dma_wait3A_83, %dma_wait3A_85, %dma_wait3A_86] : memref<2x128x128xbf16, #tpu.memory_space<vmem>> -> memref<1x128x128xbf16, #tpu.memory_space<vmem>>
    %dma_wait3A_88 = tpu.memref_squeeze %dma_wait3A_87 : memref<1x128x128xbf16, #tpu.memory_space<vmem>> -> memref<128x128xbf16, #tpu.memory_space<vmem>>
    %dma_wait3A_89 = arith.constant 0 : i32
    %dma_wait3A_90 = tpu.memref_slice %arg4[%mul3A_2, %dma_wait3A_89] : memref<102400x128xbf16, #tpu.memory_space<hbm>> -> memref<128x128xbf16, #tpu.memory_space<hbm>>
    %dma_wait3A_91 = tpu.memref_slice %arg9[%dma_wait3A_84] : memref<2x!tpu.dma_semaphore, #tpu.memory_space<semaphore_mem>> -> memref<1x!tpu.dma_semaphore, #tpu.memory_space<semaphore_mem>>
    %dma_wait3A_92 = tpu.memref_squeeze %dma_wait3A_91 : memref<1x!tpu.dma_semaphore, #tpu.memory_space<semaphore_mem>> -> memref<!tpu.dma_semaphore, #tpu.memory_space<semaphore_mem>>
    %dma_wait3A_93 = arith.constant 0 : i32
    %dma_wait3A_94 = tpu.memref_slice %arg4[%mul3A_2, %dma_wait3A_93] : memref<102400x128xbf16, #tpu.memory_space<hbm>> -> memref<128x128xbf16, #tpu.memory_space<hbm>>
    %dma_wait3A_95 = arith.constant 0 : i32
    %dma_wait3A_96 = arith.constant 0 : i32
    %dma_wait3A_97 = tpu.memref_slice %arg7[%dma_wait3A_83, %dma_wait3A_95, %dma_wait3A_96] : memref<2x128x128xbf16, #tpu.memory_space<vmem>> -> memref<1x128x128xbf16, #tpu.memory_space<vmem>>
    %dma_wait3A_98 = tpu.memref_squeeze %dma_wait3A_97 : memref<1x128x128xbf16, #tpu.memory_space<vmem>> -> memref<128x128xbf16, #tpu.memory_space<vmem>>
    tpu.wait_dma2 semaphore(%dma_wait3A_92 : memref<!tpu.dma_semaphore, #tpu.memory_space<semaphore_mem>>) src(%dma_wait3A_98 : memref<128x128xbf16, #tpu.memory_space<vmem>>) dst(%dma_wait3A_94 : memref<128x128xbf16, #tpu.memory_space<hbm>>)
    return
  }
}

#map = affine_map<(d0, d1) -> (0, 0, 0)>
#map1 = affine_map<(d0, d1) -> (0, 0)>
module attributes {stable_mosaic.version = 14 : i64} {
  func.func @body(%arg0: i32, %arg1: i32, %arg2: memref<32x25x128xi32, #tpu.memory_space<hbm>>, %arg3: memref<1000000x128xf32, #tpu.memory_space<hbm>>, %arg4: memref<102400x128xbf16, #tpu.memory_space<hbm>>, %arg5: memref<25x128xi32, #tpu.memory_space<vmem>>, %arg6: memref<2x128x128xf32, #tpu.memory_space<vmem>>, %arg7: memref<2x128x128xbf16, #tpu.memory_space<vmem>>, %arg8: memref<2x!tpu.dma_semaphore, #tpu.memory_space<semaphore_mem>>, %arg9: memref<2x!tpu.dma_semaphore, #tpu.memory_space<semaphore_mem>>) attributes {dimension_semantics = [#tpu.dimension_semantics<core_parallel>, #tpu.dimension_semantics<subcore_parallel>], iteration_bounds = array<i64: 2, 16>, scalar_prefetch = 0 : i64, scratch_operands = 5 : i64, tpu.core_type = #tpu.core_type<sc_vector_subcore>, window_params = [{transform_indices = #map}, {transform_indices = #map1}, {transform_indices = #map1}]} {
    %mul3A = arith.constant 2 : i32
    %mul3A_0 = arith.muli %arg1, %mul3A : i32
    %add3A = arith.addi %mul3A_0, %arg0 : i32
    %mul3A_1 = arith.constant 3200 : i32
    %mul3A_2 = arith.muli %add3A, %mul3A_1 : i32
    "tpu.region"() ({
      %run_scoped3A = tpu.sem_alloc : memref<!tpu.dma_semaphore, #tpu.memory_space<semaphore_mem>>
      %dma_start3A_99 = arith.constant 0 : i32
      %dma_start3A_100 = arith.constant 0 : i32
      %dma_start3A_101 = tpu.memref_slice %arg2[%add3A, %dma_start3A_99, %dma_start3A_100] : memref<32x25x128xi32, #tpu.memory_space<hbm>> -> memref<1x25x128xi32, #tpu.memory_space<hbm>>
      %dma_start3A_102 = tpu.memref_squeeze %dma_start3A_101 : memref<1x25x128xi32, #tpu.memory_space<hbm>> -> memref<25x128xi32, #tpu.memory_space<hbm>>
      %dma_start3A_103 = arith.constant 0 : i32
      %dma_start3A_104 = arith.constant 0 : i32
      %dma_start3A_105 = tpu.memref_slice %arg2[%add3A, %dma_start3A_103, %dma_start3A_104] : memref<32x25x128xi32, #tpu.memory_space<hbm>> -> memref<1x25x128xi32, #tpu.memory_space<hbm>>
      %dma_start3A_106 = tpu.memref_squeeze %dma_start3A_105 : memref<1x25x128xi32, #tpu.memory_space<hbm>> -> memref<25x128xi32, #tpu.memory_space<hbm>>
      tpu.enqueue_dma source(%dma_start3A_106 : memref<25x128xi32, #tpu.memory_space<hbm>>) target(%arg5 : memref<25x128xi32, #tpu.memory_space<vmem>>) target_semaphore(%run_scoped3A : memref<!tpu.dma_semaphore, #tpu.memory_space<semaphore_mem>>)
      %dma_wait3A_107 = arith.constant 0 : i32
      %dma_wait3A_108 = arith.constant 0 : i32
      %dma_wait3A_109 = tpu.memref_slice %arg2[%add3A, %dma_wait3A_107, %dma_wait3A_108] : memref<32x25x128xi32, #tpu.memory_space<hbm>> -> memref<1x25x128xi32, #tpu.memory_space<hbm>>
      %dma_wait3A_110 = tpu.memref_squeeze %dma_wait3A_109 : memref<1x25x128xi32, #tpu.memory_space<hbm>> -> memref<25x128xi32, #tpu.memory_space<hbm>>
      %dma_wait3A_111 = arith.constant 0 : i32
      %dma_wait3A_112 = arith.constant 0 : i32
      %dma_wait3A_113 = tpu.memref_slice %arg2[%add3A, %dma_wait3A_111, %dma_wait3A_112] : memref<32x25x128xi32, #tpu.memory_space<hbm>> -> memref<1x25x128xi32, #tpu.memory_space<hbm>>
      %dma_wait3A_114 = tpu.memref_squeeze %dma_wait3A_113 : memref<1x25x128xi32, #tpu.memory_space<hbm>> -> memref<25x128xi32, #tpu.memory_space<hbm>>
      tpu.wait_dma2 semaphore(%run_scoped3A : memref<!tpu.dma_semaphore, #tpu.memory_space<semaphore_mem>>) src(%dma_wait3A_114 : memref<25x128xi32, #tpu.memory_space<hbm>>) dst(%arg5 : memref<25x128xi32, #tpu.memory_space<vmem>>)
      tpu.yield
    }) : () -> ()
    %dma_start3A = arith.constant 0 : i32
    %dma_start3A_3 = arith.constant 0 : i32
    %dma_start3A_4 = arith.constant 0 : i32
    %dma_start3A_5 = arith.constant 0 : i32
    %dma_start3A_6 = arith.constant 0 : i32
    %dma_start3A_7 = tpu.memref_slice %arg6[%dma_start3A_3, %dma_start3A_5, %dma_start3A_6] : memref<2x128x128xf32, #tpu.memory_space<vmem>> -> memref<1x128x128xf32, #tpu.memory_space<vmem>>
    %dma_start3A_8 = tpu.memref_squeeze %dma_start3A_7 : memref<1x128x128xf32, #tpu.memory_space<vmem>> -> memref<128x128xf32, #tpu.memory_space<vmem>>
    %dma_start3A_9 = arith.constant 0 : i32
    %dma_start3A_10 = tpu.memref_slice %arg5[%dma_start3A, %dma_start3A_9] : memref<25x128xi32, #tpu.memory_space<vmem>> -> memref<1x128xi32, #tpu.memory_space<vmem>>
    %dma_start3A_11 = tpu.memref_squeeze %dma_start3A_10 : memref<1x128xi32, #tpu.memory_space<vmem>> -> memref<128xi32, #tpu.memory_space<vmem>>
    %dma_start3A_12 = arith.constant 0 : i32
    %dma_start3A_13 = arith.constant 0 : i32
    %dma_start3A_14 = tpu.memref_slice %arg3[%dma_start3A_12, %dma_start3A_13] : memref<1000000x128xf32, #tpu.memory_space<hbm>> -> memref<1000000x128xf32, #tpu.memory_space<hbm>>
    %dma_start3A_15 = tpu.memref_slice %arg8[%dma_start3A_4] : memref<2x!tpu.dma_semaphore, #tpu.memory_space<semaphore_mem>> -> memref<1x!tpu.dma_semaphore, #tpu.memory_space<semaphore_mem>>
    %dma_start3A_16 = tpu.memref_squeeze %dma_start3A_15 : memref<1x!tpu.dma_semaphore, #tpu.memory_space<semaphore_mem>> -> memref<!tpu.dma_semaphore, #tpu.memory_space<semaphore_mem>>
    tpu.enqueue_indirect_dma source(%dma_start3A_14 : memref<1000000x128xf32, #tpu.memory_space<hbm>>) target(%dma_start3A_8 : memref<128x128xf32, #tpu.memory_space<vmem>>) offsets(%dma_start3A_11 : memref<128xi32, #tpu.memory_space<vmem>>) semaphore(%dma_start3A_16 : memref<!tpu.dma_semaphore, #tpu.memory_space<semaphore_mem>>)
    %scan3A = arith.constant 0 : i32
    %scan3A_17 = arith.constant 0 : i32
    %scan3A_18 = arith.constant 12 : i32
    %scan3A_19 = arith.addi %scan3A_17, %scan3A_18 : i32
    %scan3A_20 = arith.constant 1 : i32
    scf.for %scan3A_99 = %scan3A_17 to %scan3A_19 step %scan3A_20  : i32 {
      %mul3A_100 = arith.constant 2 : i32
      %mul3A_101 = arith.muli %scan3A_99, %mul3A_100 : i32
      %add3A_102 = arith.constant 0 : i32
      %add3A_103 = arith.addi %mul3A_101, %add3A_102 : i32
      %dma_wait3A_104 = arith.constant 0 : i32
      %dma_wait3A_105 = arith.constant 0 : i32
      %dma_wait3A_106 = arith.constant 0 : i32
      %dma_wait3A_107 = arith.constant 0 : i32
      %dma_wait3A_108 = tpu.memref_slice %arg6[%dma_wait3A_104, %dma_wait3A_106, %dma_wait3A_107] : memref<2x128x128xf32, #tpu.memory_space<vmem>> -> memref<1x128x128xf32, #tpu.memory_space<vmem>>
      %dma_wait3A_109 = tpu.memref_squeeze %dma_wait3A_108 : memref<1x128x128xf32, #tpu.memory_space<vmem>> -> memref<128x128xf32, #tpu.memory_space<vmem>>
      %dma_wait3A_110 = arith.constant 0 : i32
      %dma_wait3A_111 = tpu.memref_slice %arg5[%add3A_103, %dma_wait3A_110] : memref<25x128xi32, #tpu.memory_space<vmem>> -> memref<1x128xi32, #tpu.memory_space<vmem>>
      %dma_wait3A_112 = tpu.memref_squeeze %dma_wait3A_111 : memref<1x128xi32, #tpu.memory_space<vmem>> -> memref<128xi32, #tpu.memory_space<vmem>>
      %dma_wait3A_113 = arith.constant 0 : i32
      %dma_wait3A_114 = arith.constant 0 : i32
      %dma_wait3A_115 = tpu.memref_slice %arg3[%dma_wait3A_113, %dma_wait3A_114] : memref<1000000x128xf32, #tpu.memory_space<hbm>> -> memref<1000000x128xf32, #tpu.memory_space<hbm>>
      %dma_wait3A_116 = tpu.memref_slice %arg8[%dma_wait3A_105] : memref<2x!tpu.dma_semaphore, #tpu.memory_space<semaphore_mem>> -> memref<1x!tpu.dma_semaphore, #tpu.memory_space<semaphore_mem>>
      %dma_wait3A_117 = tpu.memref_squeeze %dma_wait3A_116 : memref<1x!tpu.dma_semaphore, #tpu.memory_space<semaphore_mem>> -> memref<!tpu.dma_semaphore, #tpu.memory_space<semaphore_mem>>
      tpu.wait_indirect_dma semaphore(%dma_wait3A_117 : memref<!tpu.dma_semaphore, #tpu.memory_space<semaphore_mem>>) src(%dma_wait3A_115 : memref<1000000x128xf32, #tpu.memory_space<hbm>>) dst(%dma_wait3A_109 : memref<128x128xf32, #tpu.memory_space<vmem>>)
      %add3A_118 = arith.constant 1 : i32
      %add3A_119 = arith.addi %add3A_103, %add3A_118 : i32
      %lt3A = arith.constant 25 : i32
      %lt3A_120 = arith.cmpi slt, %add3A_119, %lt3A : i32
      %convert_element_type3A_121 = arith.extui %lt3A_120 : i1 to i32
      %cond3A_122 = arith.constant 0 : i32
      %cond3A_123 = arith.cmpi ne, %convert_element_type3A_121, %cond3A_122 : i32
      scf.if %cond3A_123 {
        %add3A_213 = arith.constant 1 : i32
        %add3A_214 = arith.addi %add3A_103, %add3A_213 : i32
        %dma_start3A_215 = arith.constant 1 : i32
        %dma_start3A_216 = arith.constant 1 : i32
        %dma_start3A_217 = arith.constant 0 : i32
        %dma_start3A_218 = arith.constant 0 : i32
        %dma_start3A_219 = tpu.memref_slice %arg6[%dma_start3A_215, %dma_start3A_217, %dma_start3A_218] : memref<2x128x128xf32, #tpu.memory_space<vmem>> -> memref<1x128x128xf32, #tpu.memory_space<vmem>>
        %dma_start3A_220 = tpu.memref_squeeze %dma_start3A_219 : memref<1x128x128xf32, #tpu.memory_space<vmem>> -> memref<128x128xf32, #tpu.memory_space<vmem>>
        %dma_start3A_221 = arith.constant 0 : i32
        %dma_start3A_222 = tpu.memref_slice %arg5[%add3A_214, %dma_start3A_221] : memref<25x128xi32, #tpu.memory_space<vmem>> -> memref<1x128xi32, #tpu.memory_space<vmem>>
        %dma_start3A_223 = tpu.memref_squeeze %dma_start3A_222 : memref<1x128xi32, #tpu.memory_space<vmem>> -> memref<128xi32, #tpu.memory_space<vmem>>
        %dma_start3A_224 = arith.constant 0 : i32
        %dma_start3A_225 = arith.constant 0 : i32
        %dma_start3A_226 = tpu.memref_slice %arg3[%dma_start3A_224, %dma_start3A_225] : memref<1000000x128xf32, #tpu.memory_space<hbm>> -> memref<1000000x128xf32, #tpu.memory_space<hbm>>
        %dma_start3A_227 = tpu.memref_slice %arg8[%dma_start3A_216] : memref<2x!tpu.dma_semaphore, #tpu.memory_space<semaphore_mem>> -> memref<1x!tpu.dma_semaphore, #tpu.memory_space<semaphore_mem>>
        %dma_start3A_228 = tpu.memref_squeeze %dma_start3A_227 : memref<1x!tpu.dma_semaphore, #tpu.memory_space<semaphore_mem>> -> memref<!tpu.dma_semaphore, #tpu.memory_space<semaphore_mem>>
        tpu.enqueue_indirect_dma source(%dma_start3A_226 : memref<1000000x128xf32, #tpu.memory_space<hbm>>) target(%dma_start3A_220 : memref<128x128xf32, #tpu.memory_space<vmem>>) offsets(%dma_start3A_223 : memref<128xi32, #tpu.memory_space<vmem>>) semaphore(%dma_start3A_228 : memref<!tpu.dma_semaphore, #tpu.memory_space<semaphore_mem>>)
      } else {
      }
      %ge3A_124 = arith.constant 2 : i32
      %ge3A_125 = arith.cmpi sge, %add3A_103, %ge3A_124 : i32
      %convert_element_type3A_126 = arith.extui %ge3A_125 : i1 to i32
      %cond3A_127 = arith.constant 0 : i32
      %cond3A_128 = arith.cmpi ne, %convert_element_type3A_126, %cond3A_127 : i32
      scf.if %cond3A_128 {
        %dma_wait3A_213 = arith.constant 0 : i32
        %dma_wait3A_214 = arith.constant 0 : i32
        %dma_wait3A_215 = arith.constant 0 : i32
        %dma_wait3A_216 = arith.constant 0 : i32
        %dma_wait3A_217 = tpu.memref_slice %arg7[%dma_wait3A_213, %dma_wait3A_215, %dma_wait3A_216] : memref<2x128x128xbf16, #tpu.memory_space<vmem>> -> memref<1x128x128xbf16, #tpu.memory_space<vmem>>
        %dma_wait3A_218 = tpu.memref_squeeze %dma_wait3A_217 : memref<1x128x128xbf16, #tpu.memory_space<vmem>> -> memref<128x128xbf16, #tpu.memory_space<vmem>>
        %dma_wait3A_219 = arith.constant 0 : i32
        %dma_wait3A_220 = tpu.memref_slice %arg4[%mul3A_2, %dma_wait3A_219] : memref<102400x128xbf16, #tpu.memory_space<hbm>> -> memref<128x128xbf16, #tpu.memory_space<hbm>>
        %dma_wait3A_221 = tpu.memref_slice %arg9[%dma_wait3A_214] : memref<2x!tpu.dma_semaphore, #tpu.memory_space<semaphore_mem>> -> memref<1x!tpu.dma_semaphore, #tpu.memory_space<semaphore_mem>>
        %dma_wait3A_222 = tpu.memref_squeeze %dma_wait3A_221 : memref<1x!tpu.dma_semaphore, #tpu.memory_space<semaphore_mem>> -> memref<!tpu.dma_semaphore, #tpu.memory_space<semaphore_mem>>
        %dma_wait3A_223 = arith.constant 0 : i32
        %dma_wait3A_224 = tpu.memref_slice %arg4[%mul3A_2, %dma_wait3A_223] : memref<102400x128xbf16, #tpu.memory_space<hbm>> -> memref<128x128xbf16, #tpu.memory_space<hbm>>
        %dma_wait3A_225 = arith.constant 0 : i32
        %dma_wait3A_226 = arith.constant 0 : i32
        %dma_wait3A_227 = tpu.memref_slice %arg7[%dma_wait3A_213, %dma_wait3A_225, %dma_wait3A_226] : memref<2x128x128xbf16, #tpu.memory_space<vmem>> -> memref<1x128x128xbf16, #tpu.memory_space<vmem>>
        %dma_wait3A_228 = tpu.memref_squeeze %dma_wait3A_227 : memref<1x128x128xbf16, #tpu.memory_space<vmem>> -> memref<128x128xbf16, #tpu.memory_space<vmem>>
        tpu.wait_dma2 semaphore(%dma_wait3A_222 : memref<!tpu.dma_semaphore, #tpu.memory_space<semaphore_mem>>) src(%dma_wait3A_228 : memref<128x128xbf16, #tpu.memory_space<vmem>>) dst(%dma_wait3A_224 : memref<128x128xbf16, #tpu.memory_space<hbm>>)
      } else {
      }
      %scan3A_129 = arith.constant 0 : i32
      %scan3A_130 = arith.constant 0 : i32
      %scan3A_131 = arith.constant 0 : i32
      %scan3A_132 = arith.constant 0 : i32
      %scan3A_133 = arith.constant 128 : i32
      %scan3A_134 = arith.addi %scan3A_132, %scan3A_133 : i32
      %scan3A_135 = arith.constant 1 : i32
      scf.for %scan3A_213 = %scan3A_132 to %scan3A_134 step %scan3A_135  : i32 {
        %get3A = arith.constant 0 : i32
        %get3A_214 = arith.constant 0 : i32
        %get3A_215 = tpu.memref_slice %arg6[%scan3A_130, %get3A, %get3A_214] : memref<2x128x128xf32, #tpu.memory_space<vmem>> -> memref<1x128x128xf32, #tpu.memory_space<vmem>>
        %get3A_216 = tpu.memref_squeeze %get3A_215 : memref<1x128x128xf32, #tpu.memory_space<vmem>> -> memref<128x128xf32, #tpu.memory_space<vmem>>
        %get3A_217 = arith.index_cast %scan3A_213 : i32 to index
        %get3A_218 = arith.constant 0 : index
        %get3A_219 = tpu.vector_load %get3A_216[%get3A_217, %get3A_218] {strides = array<i32>} : memref<128x128xf32, #tpu.memory_space<vmem>>, vector<16xf32>,
        %get3A_220 = arith.constant 0 : i32
        %get3A_221 = arith.constant 0 : i32
        %get3A_222 = tpu.memref_slice %arg6[%scan3A_130, %get3A_220, %get3A_221] : memref<2x128x128xf32, #tpu.memory_space<vmem>> -> memref<1x128x128xf32, #tpu.memory_space<vmem>>
        %get3A_223 = tpu.memref_squeeze %get3A_222 : memref<1x128x128xf32, #tpu.memory_space<vmem>> -> memref<128x128xf32, #tpu.memory_space<vmem>>
        %get3A_224 = arith.index_cast %scan3A_213 : i32 to index
        %get3A_225 = arith.constant 16 : index
        %get3A_226 = tpu.vector_load %get3A_223[%get3A_224, %get3A_225] {strides = array<i32>} : memref<128x128xf32, #tpu.memory_space<vmem>>, vector<16xf32>,
        %pack3A = tpu.pack_subelements %get3A_219, %get3A_226 {pack_format = #tpu.pack_format<interleaved>, positions = array<i32: 0, 1>} : vector<16xf32>, vector<16xf32> -> vector<32xbf16>
        %swap3A = arith.constant 0 : i32
        %swap3A_227 = arith.constant 0 : i32
        %swap3A_228 = tpu.memref_slice %arg7[%scan3A_131, %swap3A, %swap3A_227] : memref<2x128x128xbf16, #tpu.memory_space<vmem>> -> memref<1x128x128xbf16, #tpu.memory_space<vmem>>
        %swap3A_229 = tpu.memref_squeeze %swap3A_228 : memref<1x128x128xbf16, #tpu.memory_space<vmem>> -> memref<128x128xbf16, #tpu.memory_space<vmem>>
        %swap3A_230 = arith.index_cast %scan3A_213 : i32 to index
        %swap3A_231 = arith.constant 0 : index
        %swap3A_232 = tpu.vector_load %swap3A_229[%swap3A_230, %swap3A_231] {strides = array<i32>} : memref<128x128xbf16, #tpu.memory_space<vmem>>, vector<32xbf16>,
        tpu.vector_store %swap3A_229[%swap3A_230, %swap3A_231], %pack3A {strides = array<i32>} : memref<128x128xbf16, #tpu.memory_space<vmem>>, vector<32xbf16>,
        %get3A_233 = arith.constant 0 : i32
        %get3A_234 = arith.constant 0 : i32
        %get3A_235 = tpu.memref_slice %arg6[%scan3A_130, %get3A_233, %get3A_234] : memref<2x128x128xf32, #tpu.memory_space<vmem>> -> memref<1x128x128xf32, #tpu.memory_space<vmem>>
        %get3A_236 = tpu.memref_squeeze %get3A_235 : memref<1x128x128xf32, #tpu.memory_space<vmem>> -> memref<128x128xf32, #tpu.memory_space<vmem>>
        %get3A_237 = arith.index_cast %scan3A_213 : i32 to index
        %get3A_238 = arith.constant 32 : index
        %get3A_239 = tpu.vector_load %get3A_236[%get3A_237, %get3A_238] {strides = array<i32>} : memref<128x128xf32, #tpu.memory_space<vmem>>, vector<16xf32>,
        %get3A_240 = arith.constant 0 : i32
        %get3A_241 = arith.constant 0 : i32
        %get3A_242 = tpu.memref_slice %arg6[%scan3A_130, %get3A_240, %get3A_241] : memref<2x128x128xf32, #tpu.memory_space<vmem>> -> memref<1x128x128xf32, #tpu.memory_space<vmem>>
        %get3A_243 = tpu.memref_squeeze %get3A_242 : memref<1x128x128xf32, #tpu.memory_space<vmem>> -> memref<128x128xf32, #tpu.memory_space<vmem>>
        %get3A_244 = arith.index_cast %scan3A_213 : i32 to index
        %get3A_245 = arith.constant 48 : index
        %get3A_246 = tpu.vector_load %get3A_243[%get3A_244, %get3A_245] {strides = array<i32>} : memref<128x128xf32, #tpu.memory_space<vmem>>, vector<16xf32>,
        %pack3A_247 = tpu.pack_subelements %get3A_239, %get3A_246 {pack_format = #tpu.pack_format<interleaved>, positions = array<i32: 0, 1>} : vector<16xf32>, vector<16xf32> -> vector<32xbf16>
        %swap3A_248 = arith.constant 0 : i32
        %swap3A_249 = arith.constant 0 : i32
        %swap3A_250 = tpu.memref_slice %arg7[%scan3A_131, %swap3A_248, %swap3A_249] : memref<2x128x128xbf16, #tpu.memory_space<vmem>> -> memref<1x128x128xbf16, #tpu.memory_space<vmem>>
        %swap3A_251 = tpu.memref_squeeze %swap3A_250 : memref<1x128x128xbf16, #tpu.memory_space<vmem>> -> memref<128x128xbf16, #tpu.memory_space<vmem>>
        %swap3A_252 = arith.index_cast %scan3A_213 : i32 to index
        %swap3A_253 = arith.constant 32 : index
        %swap3A_254 = tpu.vector_load %swap3A_251[%swap3A_252, %swap3A_253] {strides = array<i32>} : memref<128x128xbf16, #tpu.memory_space<vmem>>, vector<32xbf16>,
        tpu.vector_store %swap3A_251[%swap3A_252, %swap3A_253], %pack3A_247 {strides = array<i32>} : memref<128x128xbf16, #tpu.memory_space<vmem>>, vector<32xbf16>,
        %get3A_255 = arith.constant 0 : i32
        %get3A_256 = arith.constant 0 : i32
        %get3A_257 = tpu.memref_slice %arg6[%scan3A_130, %get3A_255, %get3A_256] : memref<2x128x128xf32, #tpu.memory_space<vmem>> -> memref<1x128x128xf32, #tpu.memory_space<vmem>>
        %get3A_258 = tpu.memref_squeeze %get3A_257 : memref<1x128x128xf32, #tpu.memory_space<vmem>> -> memref<128x128xf32, #tpu.memory_space<vmem>>
        %get3A_259 = arith.index_cast %scan3A_213 : i32 to index
        %get3A_260 = arith.constant 64 : index
        %get3A_261 = tpu.vector_load %get3A_258[%get3A_259, %get3A_260] {strides = array<i32>} : memref<128x128xf32, #tpu.memory_space<vmem>>, vector<16xf32>,
        %get3A_262 = arith.constant 0 : i32
        %get3A_263 = arith.constant 0 : i32
        %get3A_264 = tpu.memref_slice %arg6[%scan3A_130, %get3A_262, %get3A_263] : memref<2x128x128xf32, #tpu.memory_space<vmem>> -> memref<1x128x128xf32, #tpu.memory_space<vmem>>
        %get3A_265 = tpu.memref_squeeze %get3A_264 : memref<1x128x128xf32, #tpu.memory_space<vmem>> -> memref<128x128xf32, #tpu.memory_space<vmem>>
        %get3A_266 = arith.index_cast %scan3A_213 : i32 to index
        %get3A_267 = arith.constant 80 : index
        %get3A_268 = tpu.vector_load %get3A_265[%get3A_266, %get3A_267] {strides = array<i32>} : memref<128x128xf32, #tpu.memory_space<vmem>>, vector<16xf32>,
        %pack3A_269 = tpu.pack_subelements %get3A_261, %get3A_268 {pack_format = #tpu.pack_format<interleaved>, positions = array<i32: 0, 1>} : vector<16xf32>, vector<16xf32> -> vector<32xbf16>
        %swap3A_270 = arith.constant 0 : i32
        %swap3A_271 = arith.constant 0 : i32
        %swap3A_272 = tpu.memref_slice %arg7[%scan3A_131, %swap3A_270, %swap3A_271] : memref<2x128x128xbf16, #tpu.memory_space<vmem>> -> memref<1x128x128xbf16, #tpu.memory_space<vmem>>
        %swap3A_273 = tpu.memref_squeeze %swap3A_272 : memref<1x128x128xbf16, #tpu.memory_space<vmem>> -> memref<128x128xbf16, #tpu.memory_space<vmem>>
        %swap3A_274 = arith.index_cast %scan3A_213 : i32 to index
        %swap3A_275 = arith.constant 64 : index
        %swap3A_276 = tpu.vector_load %swap3A_273[%swap3A_274, %swap3A_275] {strides = array<i32>} : memref<128x128xbf16, #tpu.memory_space<vmem>>, vector<32xbf16>,
        tpu.vector_store %swap3A_273[%swap3A_274, %swap3A_275], %pack3A_269 {strides = array<i32>} : memref<128x128xbf16, #tpu.memory_space<vmem>>, vector<32xbf16>,
        %get3A_277 = arith.constant 0 : i32
        %get3A_278 = arith.constant 0 : i32
        %get3A_279 = tpu.memref_slice %arg6[%scan3A_130, %get3A_277, %get3A_278] : memref<2x128x128xf32, #tpu.memory_space<vmem>> -> memref<1x128x128xf32, #tpu.memory_space<vmem>>
        %get3A_280 = tpu.memref_squeeze %get3A_279 : memref<1x128x128xf32, #tpu.memory_space<vmem>> -> memref<128x128xf32, #tpu.memory_space<vmem>>
        %get3A_281 = arith.index_cast %scan3A_213 : i32 to index
        %get3A_282 = arith.constant 96 : index
        %get3A_283 = tpu.vector_load %get3A_280[%get3A_281, %get3A_282] {strides = array<i32>} : memref<128x128xf32, #tpu.memory_space<vmem>>, vector<16xf32>,
        %get3A_284 = arith.constant 0 : i32
        %get3A_285 = arith.constant 0 : i32
        %get3A_286 = tpu.memref_slice %arg6[%scan3A_130, %get3A_284, %get3A_285] : memref<2x128x128xf32, #tpu.memory_space<vmem>> -> memref<1x128x128xf32, #tpu.memory_space<vmem>>
        %get3A_287 = tpu.memref_squeeze %get3A_286 : memref<1x128x128xf32, #tpu.memory_space<vmem>> -> memref<128x128xf32, #tpu.memory_space<vmem>>
        %get3A_288 = arith.index_cast %scan3A_213 : i32 to index
        %get3A_289 = arith.constant 112 : index
        %get3A_290 = tpu.vector_load %get3A_287[%get3A_288, %get3A_289] {strides = array<i32>} : memref<128x128xf32, #tpu.memory_space<vmem>>, vector<16xf32>,
        %pack3A_291 = tpu.pack_subelements %get3A_283, %get3A_290 {pack_format = #tpu.pack_format<interleaved>, positions = array<i32: 0, 1>} : vector<16xf32>, vector<16xf32> -> vector<32xbf16>
        %swap3A_292 = arith.constant 0 : i32
        %swap3A_293 = arith.constant 0 : i32
        %swap3A_294 = tpu.memref_slice %arg7[%scan3A_131, %swap3A_292, %swap3A_293] : memref<2x128x128xbf16, #tpu.memory_space<vmem>> -> memref<1x128x128xbf16, #tpu.memory_space<vmem>>
        %swap3A_295 = tpu.memref_squeeze %swap3A_294 : memref<1x128x128xbf16, #tpu.memory_space<vmem>> -> memref<128x128xbf16, #tpu.memory_space<vmem>>
        %swap3A_296 = arith.index_cast %scan3A_213 : i32 to index
        %swap3A_297 = arith.constant 96 : index
        %swap3A_298 = tpu.vector_load %swap3A_295[%swap3A_296, %swap3A_297] {strides = array<i32>} : memref<128x128xbf16, #tpu.memory_space<vmem>>, vector<32xbf16>,
        tpu.vector_store %swap3A_295[%swap3A_296, %swap3A_297], %pack3A_291 {strides = array<i32>} : memref<128x128xbf16, #tpu.memory_space<vmem>>, vector<32xbf16>,
      }
      %scan3A_136 = arith.constant 128 : i32
      %mul3A_137 = arith.constant 128 : i32
      %mul3A_138 = arith.muli %add3A_103, %mul3A_137 : i32
      %add3A_139 = arith.addi %mul3A_2, %mul3A_138 : i32
      %dma_start3A_140 = arith.constant 0 : i32
      %dma_start3A_141 = arith.constant 0 : i32
      %dma_start3A_142 = arith.constant 0 : i32
      %dma_start3A_143 = arith.constant 0 : i32
      %dma_start3A_144 = tpu.memref_slice %arg7[%dma_start3A_140, %dma_start3A_142, %dma_start3A_143] : memref<2x128x128xbf16, #tpu.memory_space<vmem>> -> memref<1x128x128xbf16, #tpu.memory_space<vmem>>
      %dma_start3A_145 = tpu.memref_squeeze %dma_start3A_144 : memref<1x128x128xbf16, #tpu.memory_space<vmem>> -> memref<128x128xbf16, #tpu.memory_space<vmem>>
      %dma_start3A_146 = arith.constant 0 : i32
      %dma_start3A_147 = tpu.memref_slice %arg4[%add3A_139, %dma_start3A_146] : memref<102400x128xbf16, #tpu.memory_space<hbm>> -> memref<128x128xbf16, #tpu.memory_space<hbm>>
      %dma_start3A_148 = tpu.memref_slice %arg9[%dma_start3A_141] : memref<2x!tpu.dma_semaphore, #tpu.memory_space<semaphore_mem>> -> memref<1x!tpu.dma_semaphore, #tpu.memory_space<semaphore_mem>>
      %dma_start3A_149 = tpu.memref_squeeze %dma_start3A_148 : memref<1x!tpu.dma_semaphore, #tpu.memory_space<semaphore_mem>> -> memref<!tpu.dma_semaphore, #tpu.memory_space<semaphore_mem>>
      %dma_start3A_150 = arith.constant 0 : i32
      %dma_start3A_151 = tpu.memref_slice %arg4[%add3A_139, %dma_start3A_150] : memref<102400x128xbf16, #tpu.memory_space<hbm>> -> memref<128x128xbf16, #tpu.memory_space<hbm>>
      %dma_start3A_152 = arith.constant 0 : i32
      %dma_start3A_153 = arith.constant 0 : i32
      %dma_start3A_154 = tpu.memref_slice %arg7[%dma_start3A_140, %dma_start3A_152, %dma_start3A_153] : memref<2x128x128xbf16, #tpu.memory_space<vmem>> -> memref<1x128x128xbf16, #tpu.memory_space<vmem>>
      %dma_start3A_155 = tpu.memref_squeeze %dma_start3A_154 : memref<1x128x128xbf16, #tpu.memory_space<vmem>> -> memref<128x128xbf16, #tpu.memory_space<vmem>>
      tpu.enqueue_dma source(%dma_start3A_155 : memref<128x128xbf16, #tpu.memory_space<vmem>>) target(%dma_start3A_151 : memref<128x128xbf16, #tpu.memory_space<hbm>>) target_semaphore(%dma_start3A_149 : memref<!tpu.dma_semaphore, #tpu.memory_space<semaphore_mem>>)
      %mul3A_156 = arith.constant 2 : i32
      %mul3A_157 = arith.muli %scan3A_99, %mul3A_156 : i32
      %add3A_158 = arith.constant 1 : i32
      %add3A_159 = arith.addi %mul3A_157, %add3A_158 : i32
      %dma_wait3A_160 = arith.constant 1 : i32
      %dma_wait3A_161 = arith.constant 1 : i32
      %dma_wait3A_162 = arith.constant 0 : i32
      %dma_wait3A_163 = arith.constant 0 : i32
      %dma_wait3A_164 = tpu.memref_slice %arg6[%dma_wait3A_160, %dma_wait3A_162, %dma_wait3A_163] : memref<2x128x128xf32, #tpu.memory_space<vmem>> -> memref<1x128x128xf32, #tpu.memory_space<vmem>>
      %dma_wait3A_165 = tpu.memref_squeeze %dma_wait3A_164 : memref<1x128x128xf32, #tpu.memory_space<vmem>> -> memref<128x128xf32, #tpu.memory_space<vmem>>
      %dma_wait3A_166 = arith.constant 0 : i32
      %dma_wait3A_167 = tpu.memref_slice %arg5[%add3A_159, %dma_wait3A_166] : memref<25x128xi32, #tpu.memory_space<vmem>> -> memref<1x128xi32, #tpu.memory_space<vmem>>
      %dma_wait3A_168 = tpu.memref_squeeze %dma_wait3A_167 : memref<1x128xi32, #tpu.memory_space<vmem>> -> memref<128xi32, #tpu.memory_space<vmem>>
      %dma_wait3A_169 = arith.constant 0 : i32
      %dma_wait3A_170 = arith.constant 0 : i32
      %dma_wait3A_171 = tpu.memref_slice %arg3[%dma_wait3A_169, %dma_wait3A_170] : memref<1000000x128xf32, #tpu.memory_space<hbm>> -> memref<1000000x128xf32, #tpu.memory_space<hbm>>
      %dma_wait3A_172 = tpu.memref_slice %arg8[%dma_wait3A_161] : memref<2x!tpu.dma_semaphore, #tpu.memory_space<semaphore_mem>> -> memref<1x!tpu.dma_semaphore, #tpu.memory_space<semaphore_mem>>
      %dma_wait3A_173 = tpu.memref_squeeze %dma_wait3A_172 : memref<1x!tpu.dma_semaphore, #tpu.memory_space<semaphore_mem>> -> memref<!tpu.dma_semaphore, #tpu.memory_space<semaphore_mem>>
      tpu.wait_indirect_dma semaphore(%dma_wait3A_173 : memref<!tpu.dma_semaphore, #tpu.memory_space<semaphore_mem>>) src(%dma_wait3A_171 : memref<1000000x128xf32, #tpu.memory_space<hbm>>) dst(%dma_wait3A_165 : memref<128x128xf32, #tpu.memory_space<vmem>>)
      %add3A_174 = arith.constant 1 : i32
      %add3A_175 = arith.addi %add3A_159, %add3A_174 : i32
      %lt3A_176 = arith.constant 25 : i32
      %lt3A_177 = arith.cmpi slt, %add3A_175, %lt3A_176 : i32
      %convert_element_type3A_178 = arith.extui %lt3A_177 : i1 to i32
      %cond3A_179 = arith.constant 0 : i32
      %cond3A_180 = arith.cmpi ne, %convert_element_type3A_178, %cond3A_179 : i32
      scf.if %cond3A_180 {
        %add3A_213 = arith.constant 1 : i32
        %add3A_214 = arith.addi %add3A_159, %add3A_213 : i32
        %dma_start3A_215 = arith.constant 0 : i32
        %dma_start3A_216 = arith.constant 0 : i32
        %dma_start3A_217 = arith.constant 0 : i32
        %dma_start3A_218 = arith.constant 0 : i32
        %dma_start3A_219 = tpu.memref_slice %arg6[%dma_start3A_215, %dma_start3A_217, %dma_start3A_218] : memref<2x128x128xf32, #tpu.memory_space<vmem>> -> memref<1x128x128xf32, #tpu.memory_space<vmem>>
        %dma_start3A_220 = tpu.memref_squeeze %dma_start3A_219 : memref<1x128x128xf32, #tpu.memory_space<vmem>> -> memref<128x128xf32, #tpu.memory_space<vmem>>
        %dma_start3A_221 = arith.constant 0 : i32
        %dma_start3A_222 = tpu.memref_slice %arg5[%add3A_214, %dma_start3A_221] : memref<25x128xi32, #tpu.memory_space<vmem>> -> memref<1x128xi32, #tpu.memory_space<vmem>>
        %dma_start3A_223 = tpu.memref_squeeze %dma_start3A_222 : memref<1x128xi32, #tpu.memory_space<vmem>> -> memref<128xi32, #tpu.memory_space<vmem>>
        %dma_start3A_224 = arith.constant 0 : i32
        %dma_start3A_225 = arith.constant 0 : i32
        %dma_start3A_226 = tpu.memref_slice %arg3[%dma_start3A_224, %dma_start3A_225] : memref<1000000x128xf32, #tpu.memory_space<hbm>> -> memref<1000000x128xf32, #tpu.memory_space<hbm>>
        %dma_start3A_227 = tpu.memref_slice %arg8[%dma_start3A_216] : memref<2x!tpu.dma_semaphore, #tpu.memory_space<semaphore_mem>> -> memref<1x!tpu.dma_semaphore, #tpu.memory_space<semaphore_mem>>
        %dma_start3A_228 = tpu.memref_squeeze %dma_start3A_227 : memref<1x!tpu.dma_semaphore, #tpu.memory_space<semaphore_mem>> -> memref<!tpu.dma_semaphore, #tpu.memory_space<semaphore_mem>>
        tpu.enqueue_indirect_dma source(%dma_start3A_226 : memref<1000000x128xf32, #tpu.memory_space<hbm>>) target(%dma_start3A_220 : memref<128x128xf32, #tpu.memory_space<vmem>>) offsets(%dma_start3A_223 : memref<128xi32, #tpu.memory_space<vmem>>) semaphore(%dma_start3A_228 : memref<!tpu.dma_semaphore, #tpu.memory_space<semaphore_mem>>)
      } else {
      }
      %ge3A_181 = arith.constant 2 : i32
      %ge3A_182 = arith.cmpi sge, %add3A_159, %ge3A_181 : i32
      %convert_element_type3A_183 = arith.extui %ge3A_182 : i1 to i32
      %cond3A_184 = arith.constant 0 : i32
      %cond3A_185 = arith.cmpi ne, %convert_element_type3A_183, %cond3A_184 : i32
      scf.if %cond3A_185 {
        %dma_wait3A_213 = arith.constant 1 : i32
        %dma_wait3A_214 = arith.constant 1 : i32
        %dma_wait3A_215 = arith.constant 0 : i32
        %dma_wait3A_216 = arith.constant 0 : i32
        %dma_wait3A_217 = tpu.memref_slice %arg7[%dma_wait3A_213, %dma_wait3A_215, %dma_wait3A_216] : memref<2x128x128xbf16, #tpu.memory_space<vmem>> -> memref<1x128x128xbf16, #tpu.memory_space<vmem>>
        %dma_wait3A_218 = tpu.memref_squeeze %dma_wait3A_217 : memref<1x128x128xbf16, #tpu.memory_space<vmem>> -> memref<128x128xbf16, #tpu.memory_space<vmem>>
        %dma_wait3A_219 = arith.constant 0 : i32
        %dma_wait3A_220 = tpu.memref_slice %arg4[%mul3A_2, %dma_wait3A_219] : memref<102400x128xbf16, #tpu.memory_space<hbm>> -> memref<128x128xbf16, #tpu.memory_space<hbm>>
        %dma_wait3A_221 = tpu.memref_slice %arg9[%dma_wait3A_214] : memref<2x!tpu.dma_semaphore, #tpu.memory_space<semaphore_mem>> -> memref<1x!tpu.dma_semaphore, #tpu.memory_space<semaphore_mem>>
        %dma_wait3A_222 = tpu.memref_squeeze %dma_wait3A_221 : memref<1x!tpu.dma_semaphore, #tpu.memory_space<semaphore_mem>> -> memref<!tpu.dma_semaphore, #tpu.memory_space<semaphore_mem>>
        %dma_wait3A_223 = arith.constant 0 : i32
        %dma_wait3A_224 = tpu.memref_slice %arg4[%mul3A_2, %dma_wait3A_223] : memref<102400x128xbf16, #tpu.memory_space<hbm>> -> memref<128x128xbf16, #tpu.memory_space<hbm>>
        %dma_wait3A_225 = arith.constant 0 : i32
        %dma_wait3A_226 = arith.constant 0 : i32
        %dma_wait3A_227 = tpu.memref_slice %arg7[%dma_wait3A_213, %dma_wait3A_225, %dma_wait3A_226] : memref<2x128x128xbf16, #tpu.memory_space<vmem>> -> memref<1x128x128xbf16, #tpu.memory_space<vmem>>
        %dma_wait3A_228 = tpu.memref_squeeze %dma_wait3A_227 : memref<1x128x128xbf16, #tpu.memory_space<vmem>> -> memref<128x128xbf16, #tpu.memory_space<vmem>>
        tpu.wait_dma2 semaphore(%dma_wait3A_222 : memref<!tpu.dma_semaphore, #tpu.memory_space<semaphore_mem>>) src(%dma_wait3A_228 : memref<128x128xbf16, #tpu.memory_space<vmem>>) dst(%dma_wait3A_224 : memref<128x128xbf16, #tpu.memory_space<hbm>>)
      } else {
      }
      %scan3A_186 = arith.constant 0 : i32
      %scan3A_187 = arith.constant 1 : i32
      %scan3A_188 = arith.constant 1 : i32
      %scan3A_189 = arith.constant 0 : i32
      %scan3A_190 = arith.constant 128 : i32
      %scan3A_191 = arith.addi %scan3A_189, %scan3A_190 : i32
      %scan3A_192 = arith.constant 1 : i32
      scf.for %scan3A_213 = %scan3A_189 to %scan3A_191 step %scan3A_192  : i32 {
        %get3A = arith.constant 0 : i32
        %get3A_214 = arith.constant 0 : i32
        %get3A_215 = tpu.memref_slice %arg6[%scan3A_187, %get3A, %get3A_214] : memref<2x128x128xf32, #tpu.memory_space<vmem>> -> memref<1x128x128xf32, #tpu.memory_space<vmem>>
        %get3A_216 = tpu.memref_squeeze %get3A_215 : memref<1x128x128xf32, #tpu.memory_space<vmem>> -> memref<128x128xf32, #tpu.memory_space<vmem>>
        %get3A_217 = arith.index_cast %scan3A_213 : i32 to index
        %get3A_218 = arith.constant 0 : index
        %get3A_219 = tpu.vector_load %get3A_216[%get3A_217, %get3A_218] {strides = array<i32>} : memref<128x128xf32, #tpu.memory_space<vmem>>, vector<16xf32>,
        %get3A_220 = arith.constant 0 : i32
        %get3A_221 = arith.constant 0 : i32
        %get3A_222 = tpu.memref_slice %arg6[%scan3A_187, %get3A_220, %get3A_221] : memref<2x128x128xf32, #tpu.memory_space<vmem>> -> memref<1x128x128xf32, #tpu.memory_space<vmem>>
        %get3A_223 = tpu.memref_squeeze %get3A_222 : memref<1x128x128xf32, #tpu.memory_space<vmem>> -> memref<128x128xf32, #tpu.memory_space<vmem>>
        %get3A_224 = arith.index_cast %scan3A_213 : i32 to index
        %get3A_225 = arith.constant 16 : index
        %get3A_226 = tpu.vector_load %get3A_223[%get3A_224, %get3A_225] {strides = array<i32>} : memref<128x128xf32, #tpu.memory_space<vmem>>, vector<16xf32>,
        %pack3A = tpu.pack_subelements %get3A_219, %get3A_226 {pack_format = #tpu.pack_format<interleaved>, positions = array<i32: 0, 1>} : vector<16xf32>, vector<16xf32> -> vector<32xbf16>
        %swap3A = arith.constant 0 : i32
        %swap3A_227 = arith.constant 0 : i32
        %swap3A_228 = tpu.memref_slice %arg7[%scan3A_188, %swap3A, %swap3A_227] : memref<2x128x128xbf16, #tpu.memory_space<vmem>> -> memref<1x128x128xbf16, #tpu.memory_space<vmem>>
        %swap3A_229 = tpu.memref_squeeze %swap3A_228 : memref<1x128x128xbf16, #tpu.memory_space<vmem>> -> memref<128x128xbf16, #tpu.memory_space<vmem>>
        %swap3A_230 = arith.index_cast %scan3A_213 : i32 to index
        %swap3A_231 = arith.constant 0 : index
        %swap3A_232 = tpu.vector_load %swap3A_229[%swap3A_230, %swap3A_231] {strides = array<i32>} : memref<128x128xbf16, #tpu.memory_space<vmem>>, vector<32xbf16>,
        tpu.vector_store %swap3A_229[%swap3A_230, %swap3A_231], %pack3A {strides = array<i32>} : memref<128x128xbf16, #tpu.memory_space<vmem>>, vector<32xbf16>,
        %get3A_233 = arith.constant 0 : i32
        %get3A_234 = arith.constant 0 : i32
        %get3A_235 = tpu.memref_slice %arg6[%scan3A_187, %get3A_233, %get3A_234] : memref<2x128x128xf32, #tpu.memory_space<vmem>> -> memref<1x128x128xf32, #tpu.memory_space<vmem>>
        %get3A_236 = tpu.memref_squeeze %get3A_235 : memref<1x128x128xf32, #tpu.memory_space<vmem>> -> memref<128x128xf32, #tpu.memory_space<vmem>>
        %get3A_237 = arith.index_cast %scan3A_213 : i32 to index
        %get3A_238 = arith.constant 32 : index
        %get3A_239 = tpu.vector_load %get3A_236[%get3A_237, %get3A_238] {strides = array<i32>} : memref<128x128xf32, #tpu.memory_space<vmem>>, vector<16xf32>,
        %get3A_240 = arith.constant 0 : i32
        %get3A_241 = arith.constant 0 : i32
        %get3A_242 = tpu.memref_slice %arg6[%scan3A_187, %get3A_240, %get3A_241] : memref<2x128x128xf32, #tpu.memory_space<vmem>> -> memref<1x128x128xf32, #tpu.memory_space<vmem>>
        %get3A_243 = tpu.memref_squeeze %get3A_242 : memref<1x128x128xf32, #tpu.memory_space<vmem>> -> memref<128x128xf32, #tpu.memory_space<vmem>>
        %get3A_244 = arith.index_cast %scan3A_213 : i32 to index
        %get3A_245 = arith.constant 48 : index
        %get3A_246 = tpu.vector_load %get3A_243[%get3A_244, %get3A_245] {strides = array<i32>} : memref<128x128xf32, #tpu.memory_space<vmem>>, vector<16xf32>,
        %pack3A_247 = tpu.pack_subelements %get3A_239, %get3A_246 {pack_format = #tpu.pack_format<interleaved>, positions = array<i32: 0, 1>} : vector<16xf32>, vector<16xf32> -> vector<32xbf16>
        %swap3A_248 = arith.constant 0 : i32
        %swap3A_249 = arith.constant 0 : i32
        %swap3A_250 = tpu.memref_slice %arg7[%scan3A_188, %swap3A_248, %swap3A_249] : memref<2x128x128xbf16, #tpu.memory_space<vmem>> -> memref<1x128x128xbf16, #tpu.memory_space<vmem>>
        %swap3A_251 = tpu.memref_squeeze %swap3A_250 : memref<1x128x128xbf16, #tpu.memory_space<vmem>> -> memref<128x128xbf16, #tpu.memory_space<vmem>>
        %swap3A_252 = arith.index_cast %scan3A_213 : i32 to index
        %swap3A_253 = arith.constant 32 : index
        %swap3A_254 = tpu.vector_load %swap3A_251[%swap3A_252, %swap3A_253] {strides = array<i32>} : memref<128x128xbf16, #tpu.memory_space<vmem>>, vector<32xbf16>,
        tpu.vector_store %swap3A_251[%swap3A_252, %swap3A_253], %pack3A_247 {strides = array<i32>} : memref<128x128xbf16, #tpu.memory_space<vmem>>, vector<32xbf16>,
        %get3A_255 = arith.constant 0 : i32
        %get3A_256 = arith.constant 0 : i32
        %get3A_257 = tpu.memref_slice %arg6[%scan3A_187, %get3A_255, %get3A_256] : memref<2x128x128xf32, #tpu.memory_space<vmem>> -> memref<1x128x128xf32, #tpu.memory_space<vmem>>
        %get3A_258 = tpu.memref_squeeze %get3A_257 : memref<1x128x128xf32, #tpu.memory_space<vmem>> -> memref<128x128xf32, #tpu.memory_space<vmem>>
        %get3A_259 = arith.index_cast %scan3A_213 : i32 to index
        %get3A_260 = arith.constant 64 : index
        %get3A_261 = tpu.vector_load %get3A_258[%get3A_259, %get3A_260] {strides = array<i32>} : memref<128x128xf32, #tpu.memory_space<vmem>>, vector<16xf32>,
        %get3A_262 = arith.constant 0 : i32
        %get3A_263 = arith.constant 0 : i32
        %get3A_264 = tpu.memref_slice %arg6[%scan3A_187, %get3A_262, %get3A_263] : memref<2x128x128xf32, #tpu.memory_space<vmem>> -> memref<1x128x128xf32, #tpu.memory_space<vmem>>
        %get3A_265 = tpu.memref_squeeze %get3A_264 : memref<1x128x128xf32, #tpu.memory_space<vmem>> -> memref<128x128xf32, #tpu.memory_space<vmem>>
        %get3A_266 = arith.index_cast %scan3A_213 : i32 to index
        %get3A_267 = arith.constant 80 : index
        %get3A_268 = tpu.vector_load %get3A_265[%get3A_266, %get3A_267] {strides = array<i32>} : memref<128x128xf32, #tpu.memory_space<vmem>>, vector<16xf32>,
        %pack3A_269 = tpu.pack_subelements %get3A_261, %get3A_268 {pack_format = #tpu.pack_format<interleaved>, positions = array<i32: 0, 1>} : vector<16xf32>, vector<16xf32> -> vector<32xbf16>
        %swap3A_270 = arith.constant 0 : i32
        %swap3A_271 = arith.constant 0 : i32
        %swap3A_272 = tpu.memref_slice %arg7[%scan3A_188, %swap3A_270, %swap3A_271] : memref<2x128x128xbf16, #tpu.memory_space<vmem>> -> memref<1x128x128xbf16, #tpu.memory_space<vmem>>
        %swap3A_273 = tpu.memref_squeeze %swap3A_272 : memref<1x128x128xbf16, #tpu.memory_space<vmem>> -> memref<128x128xbf16, #tpu.memory_space<vmem>>
        %swap3A_274 = arith.index_cast %scan3A_213 : i32 to index
        %swap3A_275 = arith.constant 64 : index
        %swap3A_276 = tpu.vector_load %swap3A_273[%swap3A_274, %swap3A_275] {strides = array<i32>} : memref<128x128xbf16, #tpu.memory_space<vmem>>, vector<32xbf16>,
        tpu.vector_store %swap3A_273[%swap3A_274, %swap3A_275], %pack3A_269 {strides = array<i32>} : memref<128x128xbf16, #tpu.memory_space<vmem>>, vector<32xbf16>,
        %get3A_277 = arith.constant 0 : i32
        %get3A_278 = arith.constant 0 : i32
        %get3A_279 = tpu.memref_slice %arg6[%scan3A_187, %get3A_277, %get3A_278] : memref<2x128x128xf32, #tpu.memory_space<vmem>> -> memref<1x128x128xf32, #tpu.memory_space<vmem>>
        %get3A_280 = tpu.memref_squeeze %get3A_279 : memref<1x128x128xf32, #tpu.memory_space<vmem>> -> memref<128x128xf32, #tpu.memory_space<vmem>>
        %get3A_281 = arith.index_cast %scan3A_213 : i32 to index
        %get3A_282 = arith.constant 96 : index
        %get3A_283 = tpu.vector_load %get3A_280[%get3A_281, %get3A_282] {strides = array<i32>} : memref<128x128xf32, #tpu.memory_space<vmem>>, vector<16xf32>,
        %get3A_284 = arith.constant 0 : i32
        %get3A_285 = arith.constant 0 : i32
        %get3A_286 = tpu.memref_slice %arg6[%scan3A_187, %get3A_284, %get3A_285] : memref<2x128x128xf32, #tpu.memory_space<vmem>> -> memref<1x128x128xf32, #tpu.memory_space<vmem>>
        %get3A_287 = tpu.memref_squeeze %get3A_286 : memref<1x128x128xf32, #tpu.memory_space<vmem>> -> memref<128x128xf32, #tpu.memory_space<vmem>>
        %get3A_288 = arith.index_cast %scan3A_213 : i32 to index
        %get3A_289 = arith.constant 112 : index
        %get3A_290 = tpu.vector_load %get3A_287[%get3A_288, %get3A_289] {strides = array<i32>} : memref<128x128xf32, #tpu.memory_space<vmem>>, vector<16xf32>,
        %pack3A_291 = tpu.pack_subelements %get3A_283, %get3A_290 {pack_format = #tpu.pack_format<interleaved>, positions = array<i32: 0, 1>} : vector<16xf32>, vector<16xf32> -> vector<32xbf16>
        %swap3A_292 = arith.constant 0 : i32
        %swap3A_293 = arith.constant 0 : i32
        %swap3A_294 = tpu.memref_slice %arg7[%scan3A_188, %swap3A_292, %swap3A_293] : memref<2x128x128xbf16, #tpu.memory_space<vmem>> -> memref<1x128x128xbf16, #tpu.memory_space<vmem>>
        %swap3A_295 = tpu.memref_squeeze %swap3A_294 : memref<1x128x128xbf16, #tpu.memory_space<vmem>> -> memref<128x128xbf16, #tpu.memory_space<vmem>>
        %swap3A_296 = arith.index_cast %scan3A_213 : i32 to index
        %swap3A_297 = arith.constant 96 : index
        %swap3A_298 = tpu.vector_load %swap3A_295[%swap3A_296, %swap3A_297] {strides = array<i32>} : memref<128x128xbf16, #tpu.memory_space<vmem>>, vector<32xbf16>,
        tpu.vector_store %swap3A_295[%swap3A_296, %swap3A_297], %pack3A_291 {strides = array<i32>} : memref<128x128xbf16, #tpu.memory_space<vmem>>, vector<32xbf16>,
      }
      %scan3A_193 = arith.constant 128 : i32
      %mul3A_194 = arith.constant 128 : i32
      %mul3A_195 = arith.muli %add3A_159, %mul3A_194 : i32
      %add3A_196 = arith.addi %mul3A_2, %mul3A_195 : i32
      %dma_start3A_197 = arith.constant 1 : i32
      %dma_start3A_198 = arith.constant 1 : i32
      %dma_start3A_199 = arith.constant 0 : i32
      %dma_start3A_200 = arith.constant 0 : i32
      %dma_start3A_201 = tpu.memref_slice %arg7[%dma_start3A_197, %dma_start3A_199, %dma_start3A_200] : memref<2x128x128xbf16, #tpu.memory_space<vmem>> -> memref<1x128x128xbf16, #tpu.memory_space<vmem>>
      %dma_start3A_202 = tpu.memref_squeeze %dma_start3A_201 : memref<1x128x128xbf16, #tpu.memory_space<vmem>> -> memref<128x128xbf16, #tpu.memory_space<vmem>>
      %dma_start3A_203 = arith.constant 0 : i32
      %dma_start3A_204 = tpu.memref_slice %arg4[%add3A_196, %dma_start3A_203] : memref<102400x128xbf16, #tpu.memory_space<hbm>> -> memref<128x128xbf16, #tpu.memory_space<hbm>>
      %dma_start3A_205 = tpu.memref_slice %arg9[%dma_start3A_198] : memref<2x!tpu.dma_semaphore, #tpu.memory_space<semaphore_mem>> -> memref<1x!tpu.dma_semaphore, #tpu.memory_space<semaphore_mem>>
      %dma_start3A_206 = tpu.memref_squeeze %dma_start3A_205 : memref<1x!tpu.dma_semaphore, #tpu.memory_space<semaphore_mem>> -> memref<!tpu.dma_semaphore, #tpu.memory_space<semaphore_mem>>
      %dma_start3A_207 = arith.constant 0 : i32
      %dma_start3A_208 = tpu.memref_slice %arg4[%add3A_196, %dma_start3A_207] : memref<102400x128xbf16, #tpu.memory_space<hbm>> -> memref<128x128xbf16, #tpu.memory_space<hbm>>
      %dma_start3A_209 = arith.constant 0 : i32
      %dma_start3A_210 = arith.constant 0 : i32
      %dma_start3A_211 = tpu.memref_slice %arg7[%dma_start3A_197, %dma_start3A_209, %dma_start3A_210] : memref<2x128x128xbf16, #tpu.memory_space<vmem>> -> memref<1x128x128xbf16, #tpu.memory_space<vmem>>
      %dma_start3A_212 = tpu.memref_squeeze %dma_start3A_211 : memref<1x128x128xbf16, #tpu.memory_space<vmem>> -> memref<128x128xbf16, #tpu.memory_space<vmem>>
      tpu.enqueue_dma source(%dma_start3A_212 : memref<128x128xbf16, #tpu.memory_space<vmem>>) target(%dma_start3A_208 : memref<128x128xbf16, #tpu.memory_space<hbm>>) target_semaphore(%dma_start3A_206 : memref<!tpu.dma_semaphore, #tpu.memory_space<semaphore_mem>>)
    }
    %scan3A_21 = arith.constant 12 : i32
    %dma_wait3A = arith.constant 24 : i32
    %dma_wait3A_22 = arith.constant 0 : i32
    %dma_wait3A_23 = arith.constant 0 : i32
    %dma_wait3A_24 = arith.constant 0 : i32
    %dma_wait3A_25 = arith.constant 0 : i32
    %dma_wait3A_26 = tpu.memref_slice %arg6[%dma_wait3A_22, %dma_wait3A_24, %dma_wait3A_25] : memref<2x128x128xf32, #tpu.memory_space<vmem>> -> memref<1x128x128xf32, #tpu.memory_space<vmem>>
    %dma_wait3A_27 = tpu.memref_squeeze %dma_wait3A_26 : memref<1x128x128xf32, #tpu.memory_space<vmem>> -> memref<128x128xf32, #tpu.memory_space<vmem>>
    %dma_wait3A_28 = arith.constant 0 : i32
    %dma_wait3A_29 = tpu.memref_slice %arg5[%dma_wait3A, %dma_wait3A_28] : memref<25x128xi32, #tpu.memory_space<vmem>> -> memref<1x128xi32, #tpu.memory_space<vmem>>
    %dma_wait3A_30 = tpu.memref_squeeze %dma_wait3A_29 : memref<1x128xi32, #tpu.memory_space<vmem>> -> memref<128xi32, #tpu.memory_space<vmem>>
    %dma_wait3A_31 = arith.constant 0 : i32
    %dma_wait3A_32 = arith.constant 0 : i32
    %dma_wait3A_33 = tpu.memref_slice %arg3[%dma_wait3A_31, %dma_wait3A_32] : memref<1000000x128xf32, #tpu.memory_space<hbm>> -> memref<1000000x128xf32, #tpu.memory_space<hbm>>
    %dma_wait3A_34 = tpu.memref_slice %arg8[%dma_wait3A_23] : memref<2x!tpu.dma_semaphore, #tpu.memory_space<semaphore_mem>> -> memref<1x!tpu.dma_semaphore, #tpu.memory_space<semaphore_mem>>
    %dma_wait3A_35 = tpu.memref_squeeze %dma_wait3A_34 : memref<1x!tpu.dma_semaphore, #tpu.memory_space<semaphore_mem>> -> memref<!tpu.dma_semaphore, #tpu.memory_space<semaphore_mem>>
    tpu.wait_indirect_dma semaphore(%dma_wait3A_35 : memref<!tpu.dma_semaphore, #tpu.memory_space<semaphore_mem>>) src(%dma_wait3A_33 : memref<1000000x128xf32, #tpu.memory_space<hbm>>) dst(%dma_wait3A_27 : memref<128x128xf32, #tpu.memory_space<vmem>>)
    %ge3A = arith.constant 24 : i32
    %ge3A_36 = arith.constant 2 : i32
    %ge3A_37 = arith.cmpi sge, %ge3A, %ge3A_36 : i32
    %convert_element_type3A = arith.extui %ge3A_37 : i1 to i32
    %cond3A = arith.constant 0 : i32
    %cond3A_38 = arith.cmpi ne, %convert_element_type3A, %cond3A : i32
    scf.if %cond3A_38 {
      %dma_wait3A_99 = arith.constant 0 : i32
      %dma_wait3A_100 = arith.constant 0 : i32
      %dma_wait3A_101 = arith.constant 0 : i32
      %dma_wait3A_102 = arith.constant 0 : i32
      %dma_wait3A_103 = tpu.memref_slice %arg7[%dma_wait3A_99, %dma_wait3A_101, %dma_wait3A_102] : memref<2x128x128xbf16, #tpu.memory_space<vmem>> -> memref<1x128x128xbf16, #tpu.memory_space<vmem>>
      %dma_wait3A_104 = tpu.memref_squeeze %dma_wait3A_103 : memref<1x128x128xbf16, #tpu.memory_space<vmem>> -> memref<128x128xbf16, #tpu.memory_space<vmem>>
      %dma_wait3A_105 = arith.constant 0 : i32
      %dma_wait3A_106 = tpu.memref_slice %arg4[%mul3A_2, %dma_wait3A_105] : memref<102400x128xbf16, #tpu.memory_space<hbm>> -> memref<128x128xbf16, #tpu.memory_space<hbm>>
      %dma_wait3A_107 = tpu.memref_slice %arg9[%dma_wait3A_100] : memref<2x!tpu.dma_semaphore, #tpu.memory_space<semaphore_mem>> -> memref<1x!tpu.dma_semaphore, #tpu.memory_space<semaphore_mem>>
      %dma_wait3A_108 = tpu.memref_squeeze %dma_wait3A_107 : memref<1x!tpu.dma_semaphore, #tpu.memory_space<semaphore_mem>> -> memref<!tpu.dma_semaphore, #tpu.memory_space<semaphore_mem>>
      %dma_wait3A_109 = arith.constant 0 : i32
      %dma_wait3A_110 = tpu.memref_slice %arg4[%mul3A_2, %dma_wait3A_109] : memref<102400x128xbf16, #tpu.memory_space<hbm>> -> memref<128x128xbf16, #tpu.memory_space<hbm>>
      %dma_wait3A_111 = arith.constant 0 : i32
      %dma_wait3A_112 = arith.constant 0 : i32
      %dma_wait3A_113 = tpu.memref_slice %arg7[%dma_wait3A_99, %dma_wait3A_111, %dma_wait3A_112] : memref<2x128x128xbf16, #tpu.memory_space<vmem>> -> memref<1x128x128xbf16, #tpu.memory_space<vmem>>
      %dma_wait3A_114 = tpu.memref_squeeze %dma_wait3A_113 : memref<1x128x128xbf16, #tpu.memory_space<vmem>> -> memref<128x128xbf16, #tpu.memory_space<vmem>>
      tpu.wait_dma2 semaphore(%dma_wait3A_108 : memref<!tpu.dma_semaphore, #tpu.memory_space<semaphore_mem>>) src(%dma_wait3A_114 : memref<128x128xbf16, #tpu.memory_space<vmem>>) dst(%dma_wait3A_110 : memref<128x128xbf16, #tpu.memory_space<hbm>>)
    } else {
    }
    %scan3A_39 = arith.constant 0 : i32
    %scan3A_40 = arith.constant 0 : i32
    %scan3A_41 = arith.constant 0 : i32
    %scan3A_42 = arith.constant 0 : i32
    %scan3A_43 = arith.constant 128 : i32
    %scan3A_44 = arith.addi %scan3A_42, %scan3A_43 : i32
    %scan3A_45 = arith.constant 1 : i32
    scf.for %scan3A_99 = %scan3A_42 to %scan3A_44 step %scan3A_45  : i32 {
      %get3A = arith.constant 0 : i32
      %get3A_100 = arith.constant 0 : i32
      %get3A_101 = tpu.memref_slice %arg6[%scan3A_40, %get3A, %get3A_100] : memref<2x128x128xf32, #tpu.memory_space<vmem>> -> memref<1x128x128xf32, #tpu.memory_space<vmem>>
      %get3A_102 = tpu.memref_squeeze %get3A_101 : memref<1x128x128xf32, #tpu.memory_space<vmem>> -> memref<128x128xf32, #tpu.memory_space<vmem>>
      %get3A_103 = arith.index_cast %scan3A_99 : i32 to index
      %get3A_104 = arith.constant 0 : index
      %get3A_105 = tpu.vector_load %get3A_102[%get3A_103, %get3A_104] {strides = array<i32>} : memref<128x128xf32, #tpu.memory_space<vmem>>, vector<16xf32>,
      %get3A_106 = arith.constant 0 : i32
      %get3A_107 = arith.constant 0 : i32
      %get3A_108 = tpu.memref_slice %arg6[%scan3A_40, %get3A_106, %get3A_107] : memref<2x128x128xf32, #tpu.memory_space<vmem>> -> memref<1x128x128xf32, #tpu.memory_space<vmem>>
      %get3A_109 = tpu.memref_squeeze %get3A_108 : memref<1x128x128xf32, #tpu.memory_space<vmem>> -> memref<128x128xf32, #tpu.memory_space<vmem>>
      %get3A_110 = arith.index_cast %scan3A_99 : i32 to index
      %get3A_111 = arith.constant 16 : index
      %get3A_112 = tpu.vector_load %get3A_109[%get3A_110, %get3A_111] {strides = array<i32>} : memref<128x128xf32, #tpu.memory_space<vmem>>, vector<16xf32>,
      %pack3A = tpu.pack_subelements %get3A_105, %get3A_112 {pack_format = #tpu.pack_format<interleaved>, positions = array<i32: 0, 1>} : vector<16xf32>, vector<16xf32> -> vector<32xbf16>
      %swap3A = arith.constant 0 : i32
      %swap3A_113 = arith.constant 0 : i32
      %swap3A_114 = tpu.memref_slice %arg7[%scan3A_41, %swap3A, %swap3A_113] : memref<2x128x128xbf16, #tpu.memory_space<vmem>> -> memref<1x128x128xbf16, #tpu.memory_space<vmem>>
      %swap3A_115 = tpu.memref_squeeze %swap3A_114 : memref<1x128x128xbf16, #tpu.memory_space<vmem>> -> memref<128x128xbf16, #tpu.memory_space<vmem>>
      %swap3A_116 = arith.index_cast %scan3A_99 : i32 to index
      %swap3A_117 = arith.constant 0 : index
      %swap3A_118 = tpu.vector_load %swap3A_115[%swap3A_116, %swap3A_117] {strides = array<i32>} : memref<128x128xbf16, #tpu.memory_space<vmem>>, vector<32xbf16>,
      tpu.vector_store %swap3A_115[%swap3A_116, %swap3A_117], %pack3A {strides = array<i32>} : memref<128x128xbf16, #tpu.memory_space<vmem>>, vector<32xbf16>,
      %get3A_119 = arith.constant 0 : i32
      %get3A_120 = arith.constant 0 : i32
      %get3A_121 = tpu.memref_slice %arg6[%scan3A_40, %get3A_119, %get3A_120] : memref<2x128x128xf32, #tpu.memory_space<vmem>> -> memref<1x128x128xf32, #tpu.memory_space<vmem>>
      %get3A_122 = tpu.memref_squeeze %get3A_121 : memref<1x128x128xf32, #tpu.memory_space<vmem>> -> memref<128x128xf32, #tpu.memory_space<vmem>>
      %get3A_123 = arith.index_cast %scan3A_99 : i32 to index
      %get3A_124 = arith.constant 32 : index
      %get3A_125 = tpu.vector_load %get3A_122[%get3A_123, %get3A_124] {strides = array<i32>} : memref<128x128xf32, #tpu.memory_space<vmem>>, vector<16xf32>,
      %get3A_126 = arith.constant 0 : i32
      %get3A_127 = arith.constant 0 : i32
      %get3A_128 = tpu.memref_slice %arg6[%scan3A_40, %get3A_126, %get3A_127] : memref<2x128x128xf32, #tpu.memory_space<vmem>> -> memref<1x128x128xf32, #tpu.memory_space<vmem>>
      %get3A_129 = tpu.memref_squeeze %get3A_128 : memref<1x128x128xf32, #tpu.memory_space<vmem>> -> memref<128x128xf32, #tpu.memory_space<vmem>>
      %get3A_130 = arith.index_cast %scan3A_99 : i32 to index
      %get3A_131 = arith.constant 48 : index
      %get3A_132 = tpu.vector_load %get3A_129[%get3A_130, %get3A_131] {strides = array<i32>} : memref<128x128xf32, #tpu.memory_space<vmem>>, vector<16xf32>,
      %pack3A_133 = tpu.pack_subelements %get3A_125, %get3A_132 {pack_format = #tpu.pack_format<interleaved>, positions = array<i32: 0, 1>} : vector<16xf32>, vector<16xf32> -> vector<32xbf16>
      %swap3A_134 = arith.constant 0 : i32
      %swap3A_135 = arith.constant 0 : i32
      %swap3A_136 = tpu.memref_slice %arg7[%scan3A_41, %swap3A_134, %swap3A_135] : memref<2x128x128xbf16, #tpu.memory_space<vmem>> -> memref<1x128x128xbf16, #tpu.memory_space<vmem>>
      %swap3A_137 = tpu.memref_squeeze %swap3A_136 : memref<1x128x128xbf16, #tpu.memory_space<vmem>> -> memref<128x128xbf16, #tpu.memory_space<vmem>>
      %swap3A_138 = arith.index_cast %scan3A_99 : i32 to index
      %swap3A_139 = arith.constant 32 : index
      %swap3A_140 = tpu.vector_load %swap3A_137[%swap3A_138, %swap3A_139] {strides = array<i32>} : memref<128x128xbf16, #tpu.memory_space<vmem>>, vector<32xbf16>,
      tpu.vector_store %swap3A_137[%swap3A_138, %swap3A_139], %pack3A_133 {strides = array<i32>} : memref<128x128xbf16, #tpu.memory_space<vmem>>, vector<32xbf16>,
      %get3A_141 = arith.constant 0 : i32
      %get3A_142 = arith.constant 0 : i32
      %get3A_143 = tpu.memref_slice %arg6[%scan3A_40, %get3A_141, %get3A_142] : memref<2x128x128xf32, #tpu.memory_space<vmem>> -> memref<1x128x128xf32, #tpu.memory_space<vmem>>
      %get3A_144 = tpu.memref_squeeze %get3A_143 : memref<1x128x128xf32, #tpu.memory_space<vmem>> -> memref<128x128xf32, #tpu.memory_space<vmem>>
      %get3A_145 = arith.index_cast %scan3A_99 : i32 to index
      %get3A_146 = arith.constant 64 : index
      %get3A_147 = tpu.vector_load %get3A_144[%get3A_145, %get3A_146] {strides = array<i32>} : memref<128x128xf32, #tpu.memory_space<vmem>>, vector<16xf32>,
      %get3A_148 = arith.constant 0 : i32
      %get3A_149 = arith.constant 0 : i32
      %get3A_150 = tpu.memref_slice %arg6[%scan3A_40, %get3A_148, %get3A_149] : memref<2x128x128xf32, #tpu.memory_space<vmem>> -> memref<1x128x128xf32, #tpu.memory_space<vmem>>
      %get3A_151 = tpu.memref_squeeze %get3A_150 : memref<1x128x128xf32, #tpu.memory_space<vmem>> -> memref<128x128xf32, #tpu.memory_space<vmem>>
      %get3A_152 = arith.index_cast %scan3A_99 : i32 to index
      %get3A_153 = arith.constant 80 : index
      %get3A_154 = tpu.vector_load %get3A_151[%get3A_152, %get3A_153] {strides = array<i32>} : memref<128x128xf32, #tpu.memory_space<vmem>>, vector<16xf32>,
      %pack3A_155 = tpu.pack_subelements %get3A_147, %get3A_154 {pack_format = #tpu.pack_format<interleaved>, positions = array<i32: 0, 1>} : vector<16xf32>, vector<16xf32> -> vector<32xbf16>
      %swap3A_156 = arith.constant 0 : i32
      %swap3A_157 = arith.constant 0 : i32
      %swap3A_158 = tpu.memref_slice %arg7[%scan3A_41, %swap3A_156, %swap3A_157] : memref<2x128x128xbf16, #tpu.memory_space<vmem>> -> memref<1x128x128xbf16, #tpu.memory_space<vmem>>
      %swap3A_159 = tpu.memref_squeeze %swap3A_158 : memref<1x128x128xbf16, #tpu.memory_space<vmem>> -> memref<128x128xbf16, #tpu.memory_space<vmem>>
      %swap3A_160 = arith.index_cast %scan3A_99 : i32 to index
      %swap3A_161 = arith.constant 64 : index
      %swap3A_162 = tpu.vector_load %swap3A_159[%swap3A_160, %swap3A_161] {strides = array<i32>} : memref<128x128xbf16, #tpu.memory_space<vmem>>, vector<32xbf16>,
      tpu.vector_store %swap3A_159[%swap3A_160, %swap3A_161], %pack3A_155 {strides = array<i32>} : memref<128x128xbf16, #tpu.memory_space<vmem>>, vector<32xbf16>,
      %get3A_163 = arith.constant 0 : i32
      %get3A_164 = arith.constant 0 : i32
      %get3A_165 = tpu.memref_slice %arg6[%scan3A_40, %get3A_163, %get3A_164] : memref<2x128x128xf32, #tpu.memory_space<vmem>> -> memref<1x128x128xf32, #tpu.memory_space<vmem>>
      %get3A_166 = tpu.memref_squeeze %get3A_165 : memref<1x128x128xf32, #tpu.memory_space<vmem>> -> memref<128x128xf32, #tpu.memory_space<vmem>>
      %get3A_167 = arith.index_cast %scan3A_99 : i32 to index
      %get3A_168 = arith.constant 96 : index
      %get3A_169 = tpu.vector_load %get3A_166[%get3A_167, %get3A_168] {strides = array<i32>} : memref<128x128xf32, #tpu.memory_space<vmem>>, vector<16xf32>,
      %get3A_170 = arith.constant 0 : i32
      %get3A_171 = arith.constant 0 : i32
      %get3A_172 = tpu.memref_slice %arg6[%scan3A_40, %get3A_170, %get3A_171] : memref<2x128x128xf32, #tpu.memory_space<vmem>> -> memref<1x128x128xf32, #tpu.memory_space<vmem>>
      %get3A_173 = tpu.memref_squeeze %get3A_172 : memref<1x128x128xf32, #tpu.memory_space<vmem>> -> memref<128x128xf32, #tpu.memory_space<vmem>>
      %get3A_174 = arith.index_cast %scan3A_99 : i32 to index
      %get3A_175 = arith.constant 112 : index
      %get3A_176 = tpu.vector_load %get3A_173[%get3A_174, %get3A_175] {strides = array<i32>} : memref<128x128xf32, #tpu.memory_space<vmem>>, vector<16xf32>,
      %pack3A_177 = tpu.pack_subelements %get3A_169, %get3A_176 {pack_format = #tpu.pack_format<interleaved>, positions = array<i32: 0, 1>} : vector<16xf32>, vector<16xf32> -> vector<32xbf16>
      %swap3A_178 = arith.constant 0 : i32
      %swap3A_179 = arith.constant 0 : i32
      %swap3A_180 = tpu.memref_slice %arg7[%scan3A_41, %swap3A_178, %swap3A_179] : memref<2x128x128xbf16, #tpu.memory_space<vmem>> -> memref<1x128x128xbf16, #tpu.memory_space<vmem>>
      %swap3A_181 = tpu.memref_squeeze %swap3A_180 : memref<1x128x128xbf16, #tpu.memory_space<vmem>> -> memref<128x128xbf16, #tpu.memory_space<vmem>>
      %swap3A_182 = arith.index_cast %scan3A_99 : i32 to index
      %swap3A_183 = arith.constant 96 : index
      %swap3A_184 = tpu.vector_load %swap3A_181[%swap3A_182, %swap3A_183] {strides = array<i32>} : memref<128x128xbf16, #tpu.memory_space<vmem>>, vector<32xbf16>,
      tpu.vector_store %swap3A_181[%swap3A_182, %swap3A_183], %pack3A_177 {strides = array<i32>} : memref<128x128xbf16, #tpu.memory_space<vmem>>, vector<32xbf16>,
    }
    %scan3A_46 = arith.constant 128 : i32
    %mul3A_47 = arith.constant 24 : i32
    %mul3A_48 = arith.constant 128 : i32
    %mul3A_49 = arith.muli %mul3A_47, %mul3A_48 : i32
    %add3A_50 = arith.addi %mul3A_2, %mul3A_49 : i32
    %dma_start3A_51 = arith.constant 0 : i32
    %dma_start3A_52 = arith.constant 0 : i32
    %dma_start3A_53 = arith.constant 0 : i32
    %dma_start3A_54 = arith.constant 0 : i32
    %dma_start3A_55 = tpu.memref_slice %arg7[%dma_start3A_51, %dma_start3A_53, %dma_start3A_54] : memref<2x128x128xbf16, #tpu.memory_space<vmem>> -> memref<1x128x128xbf16, #tpu.memory_space<vmem>>
    %dma_start3A_56 = tpu.memref_squeeze %dma_start3A_55 : memref<1x128x128xbf16, #tpu.memory_space<vmem>> -> memref<128x128xbf16, #tpu.memory_space<vmem>>
    %dma_start3A_57 = arith.constant 0 : i32
    %dma_start3A_58 = tpu.memref_slice %arg4[%add3A_50, %dma_start3A_57] : memref<102400x128xbf16, #tpu.memory_space<hbm>> -> memref<128x128xbf16, #tpu.memory_space<hbm>>
    %dma_start3A_59 = tpu.memref_slice %arg9[%dma_start3A_52] : memref<2x!tpu.dma_semaphore, #tpu.memory_space<semaphore_mem>> -> memref<1x!tpu.dma_semaphore, #tpu.memory_space<semaphore_mem>>
    %dma_start3A_60 = tpu.memref_squeeze %dma_start3A_59 : memref<1x!tpu.dma_semaphore, #tpu.memory_space<semaphore_mem>> -> memref<!tpu.dma_semaphore, #tpu.memory_space<semaphore_mem>>
    %dma_start3A_61 = arith.constant 0 : i32
    %dma_start3A_62 = tpu.memref_slice %arg4[%add3A_50, %dma_start3A_61] : memref<102400x128xbf16, #tpu.memory_space<hbm>> -> memref<128x128xbf16, #tpu.memory_space<hbm>>
    %dma_start3A_63 = arith.constant 0 : i32
    %dma_start3A_64 = arith.constant 0 : i32
    %dma_start3A_65 = tpu.memref_slice %arg7[%dma_start3A_51, %dma_start3A_63, %dma_start3A_64] : memref<2x128x128xbf16, #tpu.memory_space<vmem>> -> memref<1x128x128xbf16, #tpu.memory_space<vmem>>
    %dma_start3A_66 = tpu.memref_squeeze %dma_start3A_65 : memref<1x128x128xbf16, #tpu.memory_space<vmem>> -> memref<128x128xbf16, #tpu.memory_space<vmem>>
    tpu.enqueue_dma source(%dma_start3A_66 : memref<128x128xbf16, #tpu.memory_space<vmem>>) target(%dma_start3A_62 : memref<128x128xbf16, #tpu.memory_space<hbm>>) target_semaphore(%dma_start3A_60 : memref<!tpu.dma_semaphore, #tpu.memory_space<semaphore_mem>>)
    %dma_wait3A_67 = arith.constant 0 : i32
    %dma_wait3A_68 = arith.constant 0 : i32
    %dma_wait3A_69 = arith.constant 0 : i32
    %dma_wait3A_70 = arith.constant 0 : i32
    %dma_wait3A_71 = tpu.memref_slice %arg7[%dma_wait3A_67, %dma_wait3A_69, %dma_wait3A_70] : memref<2x128x128xbf16, #tpu.memory_space<vmem>> -> memref<1x128x128xbf16, #tpu.memory_space<vmem>>
    %dma_wait3A_72 = tpu.memref_squeeze %dma_wait3A_71 : memref<1x128x128xbf16, #tpu.memory_space<vmem>> -> memref<128x128xbf16, #tpu.memory_space<vmem>>
    %dma_wait3A_73 = arith.constant 0 : i32
    %dma_wait3A_74 = tpu.memref_slice %arg4[%mul3A_2, %dma_wait3A_73] : memref<102400x128xbf16, #tpu.memory_space<hbm>> -> memref<128x128xbf16, #tpu.memory_space<hbm>>
    %dma_wait3A_75 = tpu.memref_slice %arg9[%dma_wait3A_68] : memref<2x!tpu.dma_semaphore, #tpu.memory_space<semaphore_mem>> -> memref<1x!tpu.dma_semaphore, #tpu.memory_space<semaphore_mem>>
    %dma_wait3A_76 = tpu.memref_squeeze %dma_wait3A_75 : memref<1x!tpu.dma_semaphore, #tpu.memory_space<semaphore_mem>> -> memref<!tpu.dma_semaphore, #tpu.memory_space<semaphore_mem>>
    %dma_wait3A_77 = arith.constant 0 : i32
    %dma_wait3A_78 = tpu.memref_slice %arg4[%mul3A_2, %dma_wait3A_77] : memref<102400x128xbf16, #tpu.memory_space<hbm>> -> memref<128x128xbf16, #tpu.memory_space<hbm>>
    %dma_wait3A_79 = arith.constant 0 : i32
    %dma_wait3A_80 = arith.constant 0 : i32
    %dma_wait3A_81 = tpu.memref_slice %arg7[%dma_wait3A_67, %dma_wait3A_79, %dma_wait3A_80] : memref<2x128x128xbf16, #tpu.memory_space<vmem>> -> memref<1x128x128xbf16, #tpu.memory_space<vmem>>
    %dma_wait3A_82 = tpu.memref_squeeze %dma_wait3A_81 : memref<1x128x128xbf16, #tpu.memory_space<vmem>> -> memref<128x128xbf16, #tpu.memory_space<vmem>>
    tpu.wait_dma2 semaphore(%dma_wait3A_76 : memref<!tpu.dma_semaphore, #tpu.memory_space<semaphore_mem>>) src(%dma_wait3A_82 : memref<128x128xbf16, #tpu.memory_space<vmem>>) dst(%dma_wait3A_78 : memref<128x128xbf16, #tpu.memory_space<hbm>>)
    %dma_wait3A_83 = arith.constant 1 : i32
    %dma_wait3A_84 = arith.constant 1 : i32
    %dma_wait3A_85 = arith.constant 0 : i32
    %dma_wait3A_86 = arith.constant 0 : i32
    %dma_wait3A_87 = tpu.memref_slice %arg7[%dma_wait3A_83, %dma_wait3A_85, %dma_wait3A_86] : memref<2x128x128xbf16, #tpu.memory_space<vmem>> -> memref<1x128x128xbf16, #tpu.memory_space<vmem>>
    %dma_wait3A_88 = tpu.memref_squeeze %dma_wait3A_87 : memref<1x128x128xbf16, #tpu.memory_space<vmem>> -> memref<128x128xbf16, #tpu.memory_space<vmem>>
    %dma_wait3A_89 = arith.constant 0 : i32
    %dma_wait3A_90 = tpu.memref_slice %arg4[%mul3A_2, %dma_wait3A_89] : memref<102400x128xbf16, #tpu.memory_space<hbm>> -> memref<128x128xbf16, #tpu.memory_space<hbm>>
    %dma_wait3A_91 = tpu.memref_slice %arg9[%dma_wait3A_84] : memref<2x!tpu.dma_semaphore, #tpu.memory_space<semaphore_mem>> -> memref<1x!tpu.dma_semaphore, #tpu.memory_space<semaphore_mem>>
    %dma_wait3A_92 = tpu.memref_squeeze %dma_wait3A_91 : memref<1x!tpu.dma_semaphore, #tpu.memory_space<semaphore_mem>> -> memref<!tpu.dma_semaphore, #tpu.memory_space<semaphore_mem>>
    %dma_wait3A_93 = arith.constant 0 : i32
    %dma_wait3A_94 = tpu.memref_slice %arg4[%mul3A_2, %dma_wait3A_93] : memref<102400x128xbf16, #tpu.memory_space<hbm>> -> memref<128x128xbf16, #tpu.memory_space<hbm>>
    %dma_wait3A_95 = arith.constant 0 : i32
    %dma_wait3A_96 = arith.constant 0 : i32
    %dma_wait3A_97 = tpu.memref_slice %arg7[%dma_wait3A_83, %dma_wait3A_95, %dma_wait3A_96] : memref<2x128x128xbf16, #tpu.memory_space<vmem>> -> memref<1x128x128xbf16, #tpu.memory_space<vmem>>
    %dma_wait3A_98 = tpu.memref_squeeze %dma_wait3A_97 : memref<1x128x128xbf16, #tpu.memory_space<vmem>> -> memref<128x128xbf16, #tpu.memory_space<vmem>>
    tpu.wait_dma2 semaphore(%dma_wait3A_92 : memref<!tpu.dma_semaphore, #tpu.memory_space<semaphore_mem>>) src(%dma_wait3A_98 : memref<128x128xbf16, #tpu.memory_space<vmem>>) dst(%dma_wait3A_94 : memref<128x128xbf16, #tpu.memory_space<hbm>>)
    return
  }
}

module attributes {stable_mosaic.version = 14 : i64} {
  func.func @_mm_body_first(%arg0: i32, %arg1: memref<3200x128xbf16, #tpu.memory_space<vmem>>, %arg2: memref<128x1000xbf16, #tpu.memory_space<vmem>>, %arg3: memref<1x1000xf32, #tpu.memory_space<vmem>>, %arg4: memref<16x199x1000xf32, #tpu.memory_space<vmem>>) attributes {dimension_semantics = [#tpu.dimension_semantics<arbitrary>], iteration_bounds = array<i64: 32>, scalar_prefetch = 0 : i64, scratch_operands = 0 : i64, tpu.core_type = #tpu.core_type<tc>, window_params = [{transform_indices = @transform_0, window_bounds = array<i64: 3200, 128>}, {pipeline_mode = #tpu.pipeline_mode<synchronous>, transform_indices = @transform_1, window_bounds = array<i64: 128, 1000>}, {pipeline_mode = #tpu.pipeline_mode<synchronous>, transform_indices = @transform_2, window_bounds = array<i64: 1, 1000>}, {transform_indices = @transform_3, window_bounds = array<i64: 16, 199, 1000>}]} {
    %get3A = arith.constant 0 : index
    %get3A_0 = arith.constant 0 : index
    %get3A_1 = vector.load %arg1[%get3A, %get3A_0] : memref<3200x128xbf16, #tpu.memory_space<vmem>>, vector<3200x128xbf16>
    %get3A_2 = arith.constant 0 : index
    %get3A_3 = arith.constant 0 : index
    %get3A_4 = vector.load %arg2[%get3A_2, %get3A_3] : memref<128x1000xbf16, #tpu.memory_space<vmem>>, vector<128x1000xbf16>
    %dot_general3A = arith.constant dense<0.000000e+00> : vector<3200x1000xf32>
    %dot_general3A_5 = tpu.matmul %get3A_1, %get3A_4, %dot_general3A {dimension_numbers = #tpu.dot_dimension_numbers<[1], [0], [0], [1], [0, 0, 1, 1], [], []>, transpose_lhs_hint = false} : vector<3200x128xbf16>, vector<128x1000xbf16>, vector<3200x1000xf32> -> vector<3200x1000xf32>
    %get3A_6 = arith.constant 0 : index
    %get3A_7 = arith.constant 0 : index
    %get3A_8 = vector.load %arg3[%get3A_6, %get3A_7] : memref<1x1000xf32, #tpu.memory_space<vmem>>, vector<1x1000xf32>
    %add3A = vector.broadcast %get3A_8 : vector<1x1000xf32> to vector<3200x1000xf32>
    %add3A_9 = arith.addf %dot_general3A_5, %add3A : vector<3200x1000xf32>
    %reshape3A = vector.shape_cast %add3A_9 : vector<3200x1000xf32> to vector<16x200x1000xf32>
    %slice3A = vector.extract_strided_slice %reshape3A {offsets = [0, 0, 0], sizes = [16, 199, 1000], strides = [1, 1, 1]} : vector<16x200x1000xf32> to vector<16x199x1000xf32>
    %swap3A = arith.constant 0 : index
    %swap3A_10 = arith.constant 0 : index
    %swap3A_11 = arith.constant 0 : index
    %swap3A_12 = vector.load %arg4[%swap3A, %swap3A_10, %swap3A_11] : memref<16x199x1000xf32, #tpu.memory_space<vmem>>, vector<16x199x1000xf32>
    tpu.vector_store %arg4[%swap3A, %swap3A_10, %swap3A_11], %slice3A {strides = array<i32>} : memref<16x199x1000xf32, #tpu.memory_space<vmem>>, vector<16x199x1000xf32>,
    return
  }
  func.func @transform_0(%arg0: i32) -> (i32, i32) {
    %c0_i32 = arith.constant 0 : i32
    %c0_i32_0 = arith.constant 0 : i32
    return %arg0, %c0_i32 : i32, i32
  }
  func.func @transform_1(%arg0: i32) -> (i32, i32) {
    %c0_i32 = arith.constant 0 : i32
    %c0_i32_0 = arith.constant 0 : i32
    %c0_i32_1 = arith.constant 0 : i32
    return %c0_i32, %c0_i32_0 : i32, i32
  }
  func.func @transform_2(%arg0: i32) -> (i32, i32) {
    %c0_i32 = arith.constant 0 : i32
    %c0_i32_0 = arith.constant 0 : i32
    %c0_i32_1 = arith.constant 0 : i32
    return %c0_i32, %c0_i32_0 : i32, i32
  }
  func.func @transform_3(%arg0: i32) -> (i32, i32, i32) {
    %add3A = arith.constant 0 : i32
    %add3A_0 = arith.addi %arg0, %add3A : i32
    %c0_i32 = arith.constant 0 : i32
    %c0_i32_1 = arith.constant 0 : i32
    %c0_i32_2 = arith.constant 0 : i32
    return %add3A_0, %c0_i32, %c0_i32_1 : i32, i32, i32
  }
}

module attributes {stable_mosaic.version = 14 : i64} {
  func.func @_mm_body_next(%arg0: i32, %arg1: memref<3200x128xbf16, #tpu.memory_space<vmem>>, %arg2: memref<128x1000xbf16, #tpu.memory_space<vmem>>, %arg3: memref<1x1000xf32, #tpu.memory_space<vmem>>, %arg4: memref<1024x199x1000xf32, #tpu.memory_space<any>>, %arg5: memref<16x199x1000xf32, #tpu.memory_space<vmem>>) attributes {dimension_semantics = [#tpu.dimension_semantics<arbitrary>], iteration_bounds = array<i64: 32>, scalar_prefetch = 0 : i64, scratch_operands = 0 : i64, tpu.core_type = #tpu.core_type<tc>, window_params = [{transform_indices = @transform_0, window_bounds = array<i64: 3200, 128>}, {pipeline_mode = #tpu.pipeline_mode<synchronous>, transform_indices = @transform_1, window_bounds = array<i64: 128, 1000>}, {pipeline_mode = #tpu.pipeline_mode<synchronous>, transform_indices = @transform_2, window_bounds = array<i64: 1, 1000>}, {}, {transform_indices = @transform_4, window_bounds = array<i64: 16, 199, 1000>}]} {
    %get3A = arith.constant 0 : index
    %get3A_0 = arith.constant 0 : index
    %get3A_1 = vector.load %arg1[%get3A, %get3A_0] : memref<3200x128xbf16, #tpu.memory_space<vmem>>, vector<3200x128xbf16>
    %get3A_2 = arith.constant 0 : index
    %get3A_3 = arith.constant 0 : index
    %get3A_4 = vector.load %arg2[%get3A_2, %get3A_3] : memref<128x1000xbf16, #tpu.memory_space<vmem>>, vector<128x1000xbf16>
    %dot_general3A = arith.constant dense<0.000000e+00> : vector<3200x1000xf32>
    %dot_general3A_5 = tpu.matmul %get3A_1, %get3A_4, %dot_general3A {dimension_numbers = #tpu.dot_dimension_numbers<[1], [0], [0], [1], [0, 0, 1, 1], [], []>, transpose_lhs_hint = false} : vector<3200x128xbf16>, vector<128x1000xbf16>, vector<3200x1000xf32> -> vector<3200x1000xf32>
    %get3A_6 = arith.constant 0 : index
    %get3A_7 = arith.constant 0 : index
    %get3A_8 = vector.load %arg3[%get3A_6, %get3A_7] : memref<1x1000xf32, #tpu.memory_space<vmem>>, vector<1x1000xf32>
    %add3A = vector.broadcast %get3A_8 : vector<1x1000xf32> to vector<3200x1000xf32>
    %add3A_9 = arith.addf %dot_general3A_5, %add3A : vector<3200x1000xf32>
    %reshape3A = vector.shape_cast %add3A_9 : vector<3200x1000xf32> to vector<16x200x1000xf32>
    %slice3A = vector.extract_strided_slice %reshape3A {offsets = [0, 0, 0], sizes = [16, 199, 1000], strides = [1, 1, 1]} : vector<16x200x1000xf32> to vector<16x199x1000xf32>
    %swap3A = arith.constant 0 : index
    %swap3A_10 = arith.constant 0 : index
    %swap3A_11 = arith.constant 0 : index
    %swap3A_12 = vector.load %arg5[%swap3A, %swap3A_10, %swap3A_11] : memref<16x199x1000xf32, #tpu.memory_space<vmem>>, vector<16x199x1000xf32>
    tpu.vector_store %arg5[%swap3A, %swap3A_10, %swap3A_11], %slice3A {strides = array<i32>} : memref<16x199x1000xf32, #tpu.memory_space<vmem>>, vector<16x199x1000xf32>,
    return
  }
  func.func @transform_0(%arg0: i32) -> (i32, i32) {
    %c0_i32 = arith.constant 0 : i32
    %c0_i32_0 = arith.constant 0 : i32
    return %arg0, %c0_i32 : i32, i32
  }
  func.func @transform_1(%arg0: i32) -> (i32, i32) {
    %c0_i32 = arith.constant 0 : i32
    %c0_i32_0 = arith.constant 0 : i32
    %c0_i32_1 = arith.constant 0 : i32
    return %c0_i32, %c0_i32_0 : i32, i32
  }
  func.func @transform_2(%arg0: i32) -> (i32, i32) {
    %c0_i32 = arith.constant 0 : i32
    %c0_i32_0 = arith.constant 0 : i32
    %c0_i32_1 = arith.constant 0 : i32
    return %c0_i32, %c0_i32_0 : i32, i32
  }
  func.func @transform_4(%arg0: i32) -> (i32, i32, i32) {
    %add3A = arith.constant 32 : i32
    %add3A_0 = arith.addi %arg0, %add3A : i32
    %c0_i32 = arith.constant 0 : i32
    %c0_i32_1 = arith.constant 0 : i32
    %c0_i32_2 = arith.constant 0 : i32
    return %add3A_0, %c0_i32, %c0_i32_1 : i32, i32, i32
  }
}

</mosaic_0001>

<sc_bundles>
// kernel: kernel.6.cloned.1.call-start
scs
__scs_entry_jumppad:
0x0: {  	(pc) =	sbr.rel $0x88, $3  }
0x1: {  	(tag) =	ssettag $0x0;
	lr =	simm.s32 $0x1  }
0x2: {  	[smem:$0x3F9D] =	sst lr;
	_ =	strace $0xD0000000  }
0x3: {  	_ = 	snop  }
0x4: {  	_ = 	snop  }
0x5: {  	_ = 	snop  }
0x6: {  	_ = 	snop  }
0x7: {  	_ = 	snop  }
__scs_overlays_trampoline_lowered:
0x8: {  	[smem:$0x3FAC] =	sst s0  }
0x9: {  	[smem:$0x3FAD] =	sst s1  }
0xa: {  	[smem:$0x3FAE] =	sst s2  }
0xb: {  	[smem:$0x3FAF] =	sst s3  }
0xc: {  	[smem:$0x3FB0] =	sst s4  }
0xd: {  	[smem:$0x3FB1] =	sst s5  }
0xe: {  	[smem:$0x3FB2] =	sst s6  }
0xf: {  	[smem:$0x3FB3] =	sst s7  }
0x10: {  	[smem:$0x3FB4] =	sst s8  }
0x11: {  	[smem:$0x3FB5] =	sst s9;
	s0 =	simm.s32 @!p0 $0x0  }
0x12: {  	s1 =	sld [smem:$0x3F9B];
	s0 =	simm.s32 @p0 $0x1  }
0x13: {  	[smem:$0x3FB6] =	sst s0;
	s0 =	simm.s32 @!p1 $0x0  }
0x14: {  	s2 =	sld [smem:$0x3F9A];
	s0 =	simm.s32 @p1 $0x1  }
0x15: {  	[smem:$0x3FB7] =	sst s0;
	s0 =	simm.s32 @!p2 $0x0  }
0x16: {  	s3 =	sld [smem:$0x3FDB];
	s0 =	simm.s32 @p2 $0x1  }
0x17: {  	s4 =	simm.s32 $0x1BF5;
	[smem:$0x3FB9] =	sst s0  }
0x18: {  	s0 =	sld [smem:$0x3F9C];
	_ =	swait.ge [sflag:s4], $0x0  }
0x19: {  	s7 =	sld [smem:$0x3F9D]  }
0x1a: {  	s8 =	sadd.s32 $0xFFFFE003, lr  }
0x1b: {  	s9 =	sadd.s32 $0xFFFFFEF7, lr;
	s5 =	simm.s32 $0xFFFFFFFF;
	p2 =	slt.u32 s8, $0xFFFFF086  }
0x1c: {  	p1 =	slt.u32 s9, $0xF7A;
	s5 =	simm.s32 @!p2 $0x0  }
0x1d: {  	s5 =	simm.s32 @p1 $0x1;
	p0 =	seq.s32 s7, s2  }
0x1e: {  	s7 =	smul.u32 @!p0 $0xF7A, s2;
	p2 =	seq.s32 @!p0 s5, $0x0  }
0x1f: {  	s9 =	smul.u32 $0xF7A, s1;
	s8 =	simm.s32 @!p0 $0x1BF5;
	p2 =	por !p2, p0  }
0x20: {  	[sflag:s8] =	ssyncset.s32 @!p0 $0xFFFFF086;
	s6 =	sadd.s32 @!p0 s3, s7;
	s7 =	simm.s32 @!p0 $0x108  }
0x21: {  	s3 =	sadd.s32 s3, s9;
	s6 =	sadd.s32 @!p0 $0x88, s6;
	s7 =	simm.s32 @p2 $0x1082  }
0x22: {  	[simem:s7], [sflag:s8] =	dma.local @!p0 [hbm:s6], $0xF7A  }
0x23: {  	s9 =	sor.u32 $0xD0000000, s2;
	s6 =	simm.s32 $0x108;
	_ =	swait.ge @!p0 [sflag:s8], $0x0  }
0x24: {  	s3 =	sadd.s32 $0x88, s3;
	s6 =	simm.s32 @!p1 $0x1082;
	[sflag:s4] =	ssyncset.s32 $0xFFFFF086  }
0x25: {  	[simem:s6], [sflag:s4] =	dma.local [hbm:s3], $0xF7A  }
0x26: {  	[smem:$0x3F9D] =	sst s1;
	(tag) =	ssettag s2;
	_ =	strace s9  }
0x27: {  	s1 =	sld [smem:$0x3FAD]  }
0x28: {  	s2 =	sld [smem:$0x3FAE]  }
0x29: {  	s4 =	sld [smem:$0x3FB0]  }
0x2a: {  	p0 =	seq.s32 s5, $0x0;
	s5 =	sld [smem:$0x3FB1]  }
0x2b: {  	s6 =	sld [smem:$0x3FB2]  }
0x2c: {  	s7 =	sld [smem:$0x3FB3]  }
0x2d: {  	s3 =	simm.s32 $0x108;
	s8 =	sld [smem:$0x3FB4]  }
0x2e: {  	s3 =	simm.s32 @!p0 $0x1082;
	s9 =	sld [smem:$0x3FB5]  }
0x2f: {  	lr =	sadd.s32 s0, s3;
	s0 =	sld [smem:$0x3FAC]  }
0x30: {  	s3 =	sld [smem:$0x3FAF]  }
0x31: {  	[smem:$0x3FB8] =	sst s10  }
0x32: {  	s10 =	sld [smem:$0x3FB6];
	_ =	sdelay $0x3  }
0x33: {  	p0 =	seq.s32 s10, $0x1;
	s10 =	sld [smem:$0x3FB8];
	_ =	sdelay $0x3  }
0x34: {  	[smem:$0x3FB8] =	sst s10  }
0x35: {  	s10 =	sld [smem:$0x3FB7];
	_ =	sdelay $0x3  }
0x36: {  	p1 =	seq.s32 s10, $0x1;
	s10 =	sld [smem:$0x3FB8];
	_ =	sdelay $0x3  }
0x37: {  	[smem:$0x3FB8] =	sst s10  }
0x38: {  	s10 =	sld [smem:$0x3FB9]  }
0x39: {  	_ = 	snop;
	(pc) =	sbr.ind lr, $3  }
0x3a: {  	_ = 	snop  }
0x3b: {  	_ = 	snop  }
0x3c: {  	p2 =	seq.s32 s10, $0x1;
	s10 =	sld [smem:$0x3FB8]  }
0x3d: {  	_ =	shalt  }
0x3e: {  	_ =	shalt  }
0x3f: {  	_ =	shalt  }
0x40: {  	_ =	shalt  }
0x41: {  	_ =	shalt  }
0x42: {  	_ =	shalt  }
0x43: {  	_ =	shalt  }
0x44: {  	_ =	shalt  }
0x45: {  	_ =	shalt  }
0x46: {  	_ =	shalt  }
0x47: {  	_ =	shalt  }
0x48: {  	_ =	shalt  }
0x49: {  	_ =	shalt  }
0x4a: {  	_ =	shalt  }
0x4b: {  	_ =	shalt  }
0x4c: {  	_ =	shalt  }
0x4d: {  	_ =	shalt  }
0x4e: {  	_ =	shalt  }
0x4f: {  	_ =	shalt  }
0x50: {  	_ =	shalt  }
0x51: {  	_ =	shalt  }
0x52: {  	_ =	shalt  }
0x53: {  	_ =	shalt  }
0x54: {  	_ =	shalt  }
0x55: {  	_ =	shalt  }
0x56: {  	_ =	shalt  }
0x57: {  	_ =	shalt  }
0x58: {  	_ =	shalt  }
0x59: {  	_ =	shalt  }
0x5a: {  	_ =	shalt  }
0x5b: {  	_ =	shalt  }
0x5c: {  	_ =	shalt  }
0x5d: {  	_ =	shalt  }
0x5e: {  	_ =	shalt  }
0x5f: {  	_ =	shalt  }
0x60: {  	_ =	shalt  }
0x61: {  	_ =	shalt  }
0x62: {  	_ =	shalt  }
0x63: {  	_ =	shalt  }
0x64: {  	_ =	shalt  }
0x65: {  	_ =	shalt  }
0x66: {  	_ =	shalt  }
0x67: {  	_ =	shalt  }
0x68: {  	_ =	shalt  }
0x69: {  	_ =	shalt  }
0x6a: {  	_ =	shalt  }
0x6b: {  	_ =	shalt  }
0x6c: {  	_ =	shalt  }
0x6d: {  	_ =	shalt  }
0x6e: {  	_ =	shalt  }
0x6f: {  	_ =	shalt  }
0x70: {  	_ =	shalt  }
0x71: {  	_ =	shalt  }
0x72: {  	_ =	shalt  }
0x73: {  	_ =	shalt  }
0x74: {  	_ =	shalt  }
0x75: {  	_ =	shalt  }
0x76: {  	_ =	shalt  }
0x77: {  	_ =	shalt  }
0x78: {  	_ =	shalt  }
0x79: {  	_ =	shalt  }
0x7a: {  	_ =	shalt  }
0x7b: {  	_ =	shalt  }
0x7c: {  	_ =	shalt  }
0x7d: {  	_ =	shalt  }
0x7e: {  	_ =	shalt  }
0x7f: {  	_ =	shalt  }
0x80: {  	_ =	shalt  }
0x81: {  	_ =	shalt  }
0x82: {  	_ =	shalt  }
0x83: {  	_ =	shalt  }
0x84: {  	_ =	shalt  }
0x85: {  	_ =	shalt  }
0x86: {  	_ =	shalt  }
0x87: {  	_ =	shalt  }
.Lfunc_end0:
.L_simem_size_0:
called_computation_lowered:
.L_overlay_start_0:
0x88: {  	s2 =	sld [smem:$0x3FD9]  }
0x89: {  	s3 =	sld [smem:$0x3FFE];
	_ =	sdelay $0x1  }
0x8a: {  	s1 =	srdreg.scid  }
0x8b: {  	s0 =	sand.u32 $0x1, s1  }
0x8c: {  	s17 =	sshll.u32 s0, $0xA;
	s2 =	sadd.s32 s3, s2  }
0x8d: {  	s2 =	sadd.s32 s2, s17  }
0x8e: {  	[smem:$0x3FC4] =	sst s2  }
0x8f: {  	_ = 	snop  }
0x90: {  	s2 =	sld [smem:$0x3FC8];
	(tm) =	ssettm $0x1  }
0x91: {  	s18 =	sld [smem:$0x3FFB];
	_ =	sdelay $0x3  }
0x92: {  	_ =	strace s18  }
0x93: {  	s3 =	sld [smem:$0x3FFC];
	_ =	sdelay $0x3  }
0x94: {  	_ =	strace s3  }
0x95: {  	s3 =	sld [smem:$0x3FFD];
	_ =	sdelay $0x3  }
0x96: {  	_ =	strace s3  }
0x97: {  	_ =	strace $0x8FFFFFFF  }
0x98: {  	s19 =	sld [smem:$0x3FDB];
	_ =	sdelay $0x1  }
0x99: {  	s4 =	simm.s32 $_scs_section_size  }
0x9a: {  	s5 =	simm.s32 $_size__tile_overlayer_lowered;
	s6 =	simm.s32 $_tile_overlayer_lowered  }
0x9b: {  	s22 =	simm.s32 $0x1BFF;
	s21 =	sshll.u32 s6, $0x1;
	s3 =	sadd.s32 s4, s19  }
0x9c: {  	s7 =	simm.s32 $0x0;
	s20 =	sshll.u32 s5, $0x1;
	s5 =	sadd.s32 s21, s3  }
0x9d: {  	[timem:s7], [sflag:s22] =	dma.local [hbm:s5], s20  }
0x9e: {  	_ =	swait.ge [sflag:s22], s20  }
0x9f: {  	s4 =	ssub.s32 $0x0, s20;
	[sflag:s22] =	ssyncset.done $0x0  }
0xa0: {  	[sflag:s22] =	ssyncadd.s32 s4;
	_ =	sdelay $0x1  }
0xa1: {  	s23 =	simm.s32 $0x1B8B  }
0xa2: {  	_ =	swait.ge [sflag:s23], $0x1  }
0xa3: {  	[sflag:s23] =	ssyncset.done $0x0  }
0xa4: {  	s25 =	simm.s32 $0x1B8E;
	s24 =	sld [smem:$0x3FFE];
	[sflag:s23] =	ssyncadd.s32 $0xFFFFFFFF  }
0xa5: {  	s26 =	simm.s32 $execute0_lowered;
	[smem:$0x3FD2] =	sst s25  }
0xa6: {  	s5 =	sshll.u32 s26, $0x1;
	_ =	strace $0x80000046;
	[dreg:$0x1] =	wrdreg $0xFFFFFFFF  }
0xa7: {  	s28 =	simm.s32 $_size_execute0_lowered;
	s3 =	sadd.s32 s3, s5;
	[dreg:$0x0] =	wrdreg $0x0  }
0xa8: {  	s5 =	sshll.u32 s28, $0x1;
	[dreg:$0x2] =	wrdreg s3  }
0xa9: {  	[dreg:$0x3] =	wrdreg s5  }
0xaa: {  	[dreg:$0x4] =	wrdreg $0xC0  }
0xab: {  	_ =	task [dreg:s7], $0x5FFFF  }
0xac: {  	[dreg:$0x1] =	wrdreg $0xFFFFFFFF  }
0xad: {  	[dreg:$0x0] =	wrdreg $0x60  }
0xae: {  	[dreg:$0x2] =	wrdreg s24  }
0xaf: {  	[dreg:$0x3] =	wrdreg s2  }
0xb0: {  	[dreg:$0x4] =	wrdreg $0x9  }
0xb1: {  	_ =	task.clear_ibuf [dreg:s7], $0x5FFFF;
	_ =	strace $0x90000046  }
0xb2: {  	s29 =	simm.s32 $0x9;
	_ =	strace $0x80000048  }
0xb3: {  	_ =	swait.ge [sflag:s29], $0x1  }
0xb4: {  	[sflag:s29] =	ssyncadd.s32 $0xFFFFFFFF  }
0xb5: {  	_ =	strace $0x90000048  }
0xb6: {  	_ =	sfence  }
0xb7: {  	s30 =	sld [smem:$0x0];
	_ =	sdelay $0x2  }
0xb8: {  	s31 =	sshll.u32 s1, $0xD;
	s1 =	sshrl.u32 s1, $0x2  }
0xb9: {  	s3 =	sand.u32 $0x4000, s31;
	s1 =	sadd.s32 s1, s30  }
0xba: {  	s0 =	sor.u32 s3, s0;
	s1 =	sshll.u32 s1, $0x11  }
0xbb: {  	s0 =	sor.u32 s1, s0  }
0xbc: {  	s0 =	sadd.s32 $0x8F2B, s0  }
0xbd: {  	[sflag:s0] =	ssyncadd.remote.s32 $0x1  }
0xbe: {  	_ =	sfence.sel $0xFFFF  }
0xbf: {  	[dreg:$0x0] =	wrdreg $0xFFFFFFFF;
	(pc) =	sbr.abs _section_cstart, $3  }
0xc0: {  	[dreg:$0x1] =	wrdreg $0xFFFFFFFF  }
0xc1: {  	_ =	task.clear_ibuf [dreg:s7], $0x2FFFF;
	_ =	strace $0x9FFFFFFF  }
0xc2: {  	(tm) =	ssettm $0x7FFFFFFF  }
0xc3: {  	_ =	shalt  }
tec
execute0_lowered:
.L_overlay_start_1:
0x0: {  	(tag) =	ssettag $0x1  }
0x1: {  	s6 =	rddreg [dreg:$0x0];
	s1 =	srdreg.scid  }
0x2: {  	s0 =	stileid.u32;
	s2 =	rddreg [dreg:$0x1]  }
0x3: {  	s3 =	simm.s32 $0x0;
	s10 =	simm.s32 $0x80;
	s11 =	simm.s32 $0x1000  }
0x4: {  	s12 =	simm.s32 $0x1;
	s13 =	simm.s32 $0x5000;
	s14 =	simm.s32 $0x9000  }
0x5: {  	s15 =	simm.s32 $0x2;
	s16 =	simm.s32 $0xB000;
	s17 =	simm.s32 $0x3  }
0x6: {  	s18 =	simm.s32 $0x4;
	s7 =	sand.u32 $0x1, s1;
	s4 =	sshll.u32 s0, $0x1  }
0x7: {  	s19 =	simm.s32 $0x0;
	[smem:$0x7FF] =	sst s3;
	s5 =	sor.u32 s7, s4  }
0x8: {  	s1 =	rddreg [dreg:$0x2];
	_ =	strace $0x80000047;
	s4 =	smul.u32 $0x64000, s5  }
0x9: {  	s7 =	ssub.s32 $0x2, s7;
	s8 =	sshll.u32 s5, $0x9;
	s5 =	sadd.s32 $0x5200, s6  }
0xa: {  	s31 =	sshrl.u32 s7, $0x1;
	s6 =	sadd.s32 s8, s6;
	s9 =	sshrl.u32 s4, $0x4  }
0xb: {  	s8 =	ssub.s32 s7, s31;
	s6 =	sadd.s32 $0x1200, s6;
	s9 =	sadd.s32 s5, s9  }
0xc: {  	s8 =	smax.u32 s8, $0x1;
	s7 =	sadd.s32 $0x6000, s9;
	s9 =	simm.s32 $0x5  }
.LBB2_1:
0xd: {  	[tilespmem:s3], [sflag:$0x5] =	stream.linear.gather [hbm4b:s6+s3], $0xC80, $0x38;
	[tilespmem:$0xD000] =	vst v63  }
0xe: {  	_ =	swait.ge [sflag:s9], $0xC80  }
0xf: {  	[sflag:s9] =	ssyncset.done $0x0  }
0x10: {  	s20 =	simm.s32 $0x0;
	[sflag:s9] =	ssyncadd.s32 $0xFFFFF380  }
0x11: {  	[tilespmem:s11], [sflag:$0x1] =	stream.indirect.gather [hbm4b:s2+s10], $0x80, s3, s10, $0xb8;
	[tilespmem:$0xD000] =	vst v63  }
.LBB2_2:
0x12: {  	_ =	swait.ge [sflag:s12], $0x4000;
	s21 =	sshllo.u32 s20, $0x1  }
0x13: {  	[sflag:s12] =	ssyncset.done $0x0;
	s22 =	sshll.u32 s21, $0x7  }
0x14: {  	p0 =	seq.s32 s20, $0x0;
	[sflag:s12] =	ssyncadd.s32 $0xFFFFC000;
	s22 =	sand.u32 $0x3FFFFF80, s22  }
0x15: {  	[tilespmem:s13], [sflag:$0x2] =	stream.indirect.gather [hbm4b:s2+s10], $0x80, s22, s10, $0xb8;
	[tilespmem:$0xD000] =	vst v63  }
0x16: {  	s22 =	simm.s32 @!p0 $0x3  }
0x17: {  	_ =	swait.ge @!p0 [sflag:s22], $0x2000  }
0x18: {  	[sflag:s22] =	ssyncset.done @!p0 $0x0  }
0x19: {  	[sflag:s22] =	ssyncadd.s32 @!p0 $0xFFFFE000;
	s22 =	simm.s32 $0x1040  }
0x1a: {  	v0 =	vld [tilespmem:s22+$0xFFFFFFC0]  }
0x1b: {  	v1 =	vld [tilespmem:s22+$0xFFFFFFD0];
	_ =	sdelay $0x3  }
0x1c: {  	s23 =	simm.s32 $0x0  }
0x1d: {  	s23 =	sand.u32 $0x1F80, s23;
	v0 =	vpack.i.f32.bf16 v1, v0  }
0x1e: {  	[tilespmem:s23+$0x9000] =	vst v0  }
0x1f: {  	v0 =	vld [tilespmem:s22+$0xFFFFFFE0]  }
0x20: {  	v1 =	vld [tilespmem:s22+$0xFFFFFFF0];
	_ =	sdelay $0x4  }
0x21: {  	v0 =	vpack.i.f32.bf16 v1, v0  }
0x22: {  	[tilespmem:s23+$0x9020] =	vst v0  }
0x23: {  	v0 =	vld [tilespmem:s22+$0x0]  }
0x24: {  	v1 =	vld [tilespmem:s22+$0x10];
	_ =	sdelay $0x4  }
0x25: {  	v0 =	vpack.i.f32.bf16 v1, v0  }
0x26: {  	[tilespmem:s23+$0x9040] =	vst v0  }
0x27: {  	v0 =	vld [tilespmem:s22+$0x20]  }
0x28: {  	s24 =	simm.s32 $0x0;
	s25 =	simm.s32 $0x1;
	v1 =	vld [tilespmem:s22+$0x30]  }
.LBB2_3:
0x29: {  	_ =	sdelay $0x1  }
0x2a: {  	p1 =	sne.s32 s25, $0x7F;
	s24 =	sadd.s32 $0x80, s24;
	s22 =	sadd.s32 $0x80, s22  }
0x2b: {  	s25 =	sadd.s32 $0x1, s25  }
0x2c: {  	v0 =	vpack.i.f32.bf16 v1, v0  }
0x2d: {  	[tilespmem:s23+$0x9060] =	vst v0  }
0x2e: {  	v0 =	vld [tilespmem:s22+$0xFFFFFFC0]  }
0x2f: {  	v1 =	vld [tilespmem:s22+$0xFFFFFFD0];
	_ =	sdelay $0x3  }
0x30: {  	s23 =	sshrl.u32 s24, $0x1  }
0x31: {  	s23 =	sand.u32 $0x1F80, s23;
	v0 =	vpack.i.f32.bf16 v1, v0  }
0x32: {  	[tilespmem:s23+$0x9000] =	vst v0  }
0x33: {  	v0 =	vld [tilespmem:s22+$0xFFFFFFE0]  }
0x34: {  	v1 =	vld [tilespmem:s22+$0xFFFFFFF0];
	_ =	sdelay $0x4  }
0x35: {  	v0 =	vpack.i.f32.bf16 v1, v0  }
0x36: {  	[tilespmem:s23+$0x9020] =	vst v0  }
0x37: {  	v0 =	vld [tilespmem:s22+$0x0]  }
0x38: {  	v1 =	vld [tilespmem:s22+$0x10];
	_ =	sdelay $0x3  }
.Ltmp0:
0x39: {  	(pc) =	sbr.rel @p1 .LBB2_3-.Ltmp0, $4  }
0x3a: {  	v0 =	vpack.i.f32.bf16 v1, v0  }
0x3b: {  	[tilespmem:s23+$0x9040] =	vst v0  }
0x3c: {  	v0 =	vld [tilespmem:s22+$0x20]  }
0x3d: {  	v1 =	vld [tilespmem:s22+$0x30]  }
0x3e: {  	_ =	sdelay $0x1  }
0x3f: {  	s22 =	sshll.u32 s20, $0xF  }
0x40: {  	s22 =	sadd.s32 s4, s22  }
0x41: {  	s22 =	sshrl.u32 s22, $0x4;
	v0 =	vpack.i.f32.bf16 v1, v0  }
0x42: {  	s22 =	sadd.s32 s5, s22;
	[tilespmem:s23+$0x9060] =	vst v0  }
0x43: {  	[hbm4b:s22+s3] =	stream.linear.scatter [tilespmem:s14], [sflag:$0x3], $0x2000, $0x38;
	[tilespmem:$0xD000] =	vst v63  }
0x44: {  	s30 =	sshll.u32 s20, $0x8;
	_ =	swait.ge [sflag:s15], $0x4000  }
0x45: {  	s22 =	sand.u32 $0x3FFFFF00, s30;
	[sflag:s15] =	ssyncset.done $0x0  }
0x46: {  	s22 =	sadd.s32 $0x100, s22;
	[sflag:s15] =	ssyncadd.s32 $0xFFFFC000  }
0x47: {  	[tilespmem:s11], [sflag:$0x1] =	stream.indirect.gather [hbm4b:s2+s10], $0x80, s22, s10, $0xb8;
	[tilespmem:$0xD000] =	vst v63  }
0x48: {  	s22 =	simm.s32 @!p0 $0x4  }
0x49: {  	_ =	swait.ge @!p0 [sflag:s22], $0x2000  }
0x4a: {  	[sflag:s22] =	ssyncset.done @!p0 $0x0  }
0x4b: {  	s25 =	simm.s32 $0x0;
	[sflag:s22] =	ssyncadd.s32 @!p0 $0xFFFFE000  }
0x4c: {  	v0 =	vld [tilespmem:s25+$0x5000]  }
0x4d: {  	v1 =	vld [tilespmem:s25+$0x5010];
	_ =	sdelay $0x3  }
0x4e: {  	s31 =	simm.s32 $0x0  }
0x4f: {  	s22 =	sand.u32 $0x1F80, s31;
	v0 =	vpack.i.f32.bf16 v1, v0  }
0x50: {  	[tilespmem:s22+$0xB000] =	vst v0  }
0x51: {  	v0 =	vld [tilespmem:s25+$0x5020]  }
0x52: {  	v1 =	vld [tilespmem:s25+$0x5030];
	_ =	sdelay $0x4  }
0x53: {  	v0 =	vpack.i.f32.bf16 v1, v0  }
0x54: {  	[tilespmem:s22+$0xB020] =	vst v0  }
0x55: {  	v0 =	vld [tilespmem:s25+$0x5040]  }
0x56: {  	v1 =	vld [tilespmem:s25+$0x5050];
	_ =	sdelay $0x4  }
0x57: {  	v0 =	vpack.i.f32.bf16 v1, v0  }
0x58: {  	[tilespmem:s22+$0xB040] =	vst v0  }
0x59: {  	v0 =	vld [tilespmem:s25+$0x5060]  }
0x5a: {  	s24 =	simm.s32 $0x200;
	s23 =	simm.s32 $0x0;
	v1 =	vld [tilespmem:s25+$0x5070];
	s25 =	simm.s32 $0x0  }
.LBB2_5:
0x5b: {  	_ = 	snop  }
0x5c: {  	p0 =	sne.s32 s24, $0xFE00;
	s23 =	sadd.s32 $0x1, s23;
	s25 =	sadd.s32 $0x80, s25  }
0x5d: {  	s26 =	smov.u32 s24;
	s24 =	sadd.s32 $0x200, s24;
	_ =	sdelay $0x1  }
0x5e: {  	v0 =	vpack.i.f32.bf16 v1, v0  }
0x5f: {  	s26 =	sshra.s32 s26, $0x2;
	[tilespmem:s22+$0xB060] =	vst v0  }
0x60: {  	v0 =	vld [tilespmem:s26+$0x5000]  }
0x61: {  	v1 =	vld [tilespmem:s26+$0x5010];
	_ =	sdelay $0x2  }
0x62: {  	s22 =	sshrl.u32 s25, $0x1  }
0x63: {  	s22 =	sand.u32 $0x1F80, s22  }
0x64: {  	v0 =	vpack.i.f32.bf16 v1, v0  }
0x65: {  	[tilespmem:s22+$0xB000] =	vst v0  }
0x66: {  	v0 =	vld [tilespmem:s26+$0x5020]  }
0x67: {  	v1 =	vld [tilespmem:s26+$0x5030];
	_ =	sdelay $0x4  }
0x68: {  	v0 =	vpack.i.f32.bf16 v1, v0  }
0x69: {  	[tilespmem:s22+$0xB020] =	vst v0  }
0x6a: {  	v0 =	vld [tilespmem:s26+$0x5040]  }
0x6b: {  	v1 =	vld [tilespmem:s26+$0x5050];
	_ =	sdelay $0x3  }
.Ltmp1:
0x6c: {  	(pc) =	sbr.rel @p0 .LBB2_5-.Ltmp1, $4  }
0x6d: {  	v0 =	vpack.i.f32.bf16 v1, v0  }
0x6e: {  	[tilespmem:s22+$0xB040] =	vst v0  }
0x6f: {  	v0 =	vld [tilespmem:s26+$0x5060]  }
0x70: {  	v1 =	vld [tilespmem:s26+$0x5070]  }
0x71: {  	s20 =	sadd.s32 $0x1, s20  }
0x72: {  	p0 =	sne.s32 s20, $0xC  }
.Ltmp2:
0x73: {  	s21 =	sshll.u32 s21, $0xE;
	(pc) =	sbr.rel @p0 .LBB2_2-.Ltmp2, $4  }
0x74: {  	s21 =	sadd.s32 s4, s21  }
0x75: {  	s21 =	sshrl.u32 s21, $0x4;
	v0 =	vpack.i.f32.bf16 v1, v0  }
0x76: {  	s21 =	sadd.s32 s5, s21;
	[tilespmem:s22+$0xB060] =	vst v0  }
0x77: {  	[hbm4b:s21+s3] =	stream.linear.scatter [tilespmem:s16], [sflag:$0x4], $0x2000, $0x38;
	[tilespmem:$0xD000] =	vst v63  }
0x78: {  	_ =	swait.ge [sflag:s12], $0x4000  }
0x79: {  	[sflag:s12] =	ssyncset.done $0x0  }
0x7a: {  	[sflag:s12] =	ssyncadd.s32 $0xFFFFC000  }
0x7b: {  	_ =	swait.ge [sflag:s17], $0x2000  }
0x7c: {  	[sflag:s17] =	ssyncset.done $0x0  }
0x7d: {  	s20 =	simm.s32 $0x1040;
	[sflag:s17] =	ssyncadd.s32 $0xFFFFE000  }
0x7e: {  	v0 =	vld [tilespmem:s20+$0xFFFFFFC0]  }
0x7f: {  	v1 =	vld [tilespmem:s20+$0xFFFFFFD0];
	_ =	sdelay $0x3  }
0x80: {  	s21 =	simm.s32 $0x0  }
0x81: {  	s21 =	sand.u32 $0x1F80, s21;
	v0 =	vpack.i.f32.bf16 v1, v0  }
0x82: {  	[tilespmem:s21+$0x9000] =	vst v0  }
0x83: {  	v0 =	vld [tilespmem:s20+$0xFFFFFFE0]  }
0x84: {  	v1 =	vld [tilespmem:s20+$0xFFFFFFF0];
	_ =	sdelay $0x4  }
0x85: {  	v0 =	vpack.i.f32.bf16 v1, v0  }
0x86: {  	[tilespmem:s21+$0x9020] =	vst v0  }
0x87: {  	v0 =	vld [tilespmem:s20+$0x0]  }
0x88: {  	v1 =	vld [tilespmem:s20+$0x10];
	_ =	sdelay $0x4  }
0x89: {  	v0 =	vpack.i.f32.bf16 v1, v0  }
0x8a: {  	[tilespmem:s21+$0x9040] =	vst v0  }
0x8b: {  	v0 =	vld [tilespmem:s20+$0x20]  }
0x8c: {  	s22 =	simm.s32 $0x0;
	s23 =	simm.s32 $0x1;
	v1 =	vld [tilespmem:s20+$0x30]  }
.LBB2_8:
0x8d: {  	_ =	sdelay $0x1  }
0x8e: {  	p0 =	sne.s32 s23, $0x7F;
	s22 =	sadd.s32 $0x80, s22;
	s20 =	sadd.s32 $0x80, s20  }
0x8f: {  	s23 =	sadd.s32 $0x1, s23  }
0x90: {  	v0 =	vpack.i.f32.bf16 v1, v0  }
0x91: {  	[tilespmem:s21+$0x9060] =	vst v0  }
0x92: {  	v0 =	vld [tilespmem:s20+$0xFFFFFFC0]  }
0x93: {  	v1 =	vld [tilespmem:s20+$0xFFFFFFD0];
	_ =	sdelay $0x3  }
0x94: {  	s21 =	sshrl.u32 s22, $0x1  }
0x95: {  	s21 =	sand.u32 $0x1F80, s21;
	v0 =	vpack.i.f32.bf16 v1, v0  }
0x96: {  	[tilespmem:s21+$0x9000] =	vst v0  }
0x97: {  	v0 =	vld [tilespmem:s20+$0xFFFFFFE0]  }
0x98: {  	v1 =	vld [tilespmem:s20+$0xFFFFFFF0];
	_ =	sdelay $0x4  }
0x99: {  	v0 =	vpack.i.f32.bf16 v1, v0  }
0x9a: {  	[tilespmem:s21+$0x9020] =	vst v0  }
0x9b: {  	v0 =	vld [tilespmem:s20+$0x0]  }
0x9c: {  	v1 =	vld [tilespmem:s20+$0x10];
	_ =	sdelay $0x3  }
.Ltmp3:
0x9d: {  	(pc) =	sbr.rel @p0 .LBB2_8-.Ltmp3, $4  }
0x9e: {  	v0 =	vpack.i.f32.bf16 v1, v0  }
0x9f: {  	[tilespmem:s21+$0x9040] =	vst v0  }
0xa0: {  	v0 =	vld [tilespmem:s20+$0x20]  }
0xa1: {  	v1 =	vld [tilespmem:s20+$0x30]  }
0xa2: {  	_ =	sdelay $0x3  }
0xa3: {  	v0 =	vpack.i.f32.bf16 v1, v0  }
0xa4: {  	s19 =	sadd.s32 $0x1, s19;
	[tilespmem:s21+$0x9060] =	vst v0  }
0xa5: {  	[hbm4b:s7+s3] =	stream.linear.scatter [tilespmem:s14], [sflag:$0x3], $0x2000, $0x38;
	[tilespmem:$0xD000] =	vst v63  }
0xa6: {  	p0 =	sne.s32 s19, s8;
	_ =	swait.ge [sflag:s17], $0x2000  }
.Ltmp4:
0xa7: {  	[sflag:s17] =	ssyncset.done $0x0;
	(pc) =	sbr.rel @p0 .LBB2_1-.Ltmp4, $4  }
0xa8: {  	[sflag:s17] =	ssyncadd.s32 $0xFFFFE000  }
0xa9: {  	_ =	swait.ge [sflag:s18], $0x2000  }
0xaa: {  	[sflag:s18] =	ssyncset.done $0x0  }
0xab: {  	[sflag:s18] =	ssyncadd.s32 $0xFFFFE000  }
0xac: {  	_ =	sfence.sel $0x180000  }
0xad: {  	[bflag:$0x0] =	sbarrier.arrive $0xFFFF  }
0xae: {  	p0 =	sne.s32 s0, $0x0;
	_ =	strace $0x90000047  }
0xaf: {  	s0 =	sadd.s32 @!p0 $0x100000, s1;
	[bflag:$0x2] =	sbarrier.arrive $0xFFFF  }
0xb0: {  	[sflag:s0] =	ssyncadd.tile.s32 @!p0 $0x1;
	_ =	shalt  }
.Lfunc_end2:
_tile_overlayer_lowered:
.L_overlay_start_2:
0xb1: {  	(tag) =	ssettag $0x2  }
0xb2: {  	s0 =	rddreg [dreg:$0x0];
	s2 =	stileid.u32  }
0xb3: {  	s1 =	rddreg [dreg:$0x1];
	p0 =	sne.s32 s2, $0x0  }
0xb4: {  	s3 =	rddreg [dreg:$0x2];
	[bflag:$0x3] =	sbarrier.arrive $0xFFFF;
	s2 =	simm.s32 @!p0 $0x1C05  }
0xb5: {  	[timem:s3], [sflag:s2] =	dma.local @!p0 [hbm:s0], s1  }
0xb6: {  	s0 =	simm.s32 @!p0 $0x5  }
0xb7: {  	_ =	swait.ge @!p0 [sflag:s0], s1  }
0xb8: {  	s1 =	ssub.s32 @!p0 $0x0, s1;
	[sflag:s0] =	ssyncset.done @!p0 $0x0  }
0xb9: {  	[sflag:s0] =	ssyncadd.s32 @!p0 s1  }
0xba: {  	[bflag:$0x3] =	sbarrier.arrive $0xFFFF  }
0xbb: {  	_ =	shalt  }

// kernel: kernel.9.cloned.1.call-start
scs
__scs_entry_jumppad:
0x0: {  	(pc) =	sbr.rel $0x88, $3  }
0x1: {  	(tag) =	ssettag $0x0;
	lr =	simm.s32 $0x1  }
0x2: {  	[smem:$0x3F9D] =	sst lr;
	_ =	strace $0xD0000000  }
0x3: {  	_ = 	snop  }
0x4: {  	_ = 	snop  }
0x5: {  	_ = 	snop  }
0x6: {  	_ = 	snop  }
0x7: {  	_ = 	snop  }
__scs_overlays_trampoline_lowered:
0x8: {  	[smem:$0x3FAC] =	sst s0  }
0x9: {  	[smem:$0x3FAD] =	sst s1  }
0xa: {  	[smem:$0x3FAE] =	sst s2  }
0xb: {  	[smem:$0x3FAF] =	sst s3  }
0xc: {  	[smem:$0x3FB0] =	sst s4  }
0xd: {  	[smem:$0x3FB1] =	sst s5  }
0xe: {  	[smem:$0x3FB2] =	sst s6  }
0xf: {  	[smem:$0x3FB3] =	sst s7  }
0x10: {  	[smem:$0x3FB4] =	sst s8  }
0x11: {  	[smem:$0x3FB5] =	sst s9;
	s0 =	simm.s32 @!p0 $0x0  }
0x12: {  	s1 =	sld [smem:$0x3F9B];
	s0 =	simm.s32 @p0 $0x1  }
0x13: {  	[smem:$0x3FB6] =	sst s0;
	s0 =	simm.s32 @!p1 $0x0  }
0x14: {  	s2 =	sld [smem:$0x3F9A];
	s0 =	simm.s32 @p1 $0x1  }
0x15: {  	[smem:$0x3FB7] =	sst s0;
	s0 =	simm.s32 @!p2 $0x0  }
0x16: {  	s3 =	sld [smem:$0x3FDB];
	s0 =	simm.s32 @p2 $0x1  }
0x17: {  	s4 =	simm.s32 $0x1BF5;
	[smem:$0x3FB9] =	sst s0  }
0x18: {  	s0 =	sld [smem:$0x3F9C];
	_ =	swait.ge [sflag:s4], $0x0  }
0x19: {  	s7 =	sld [smem:$0x3F9D]  }
0x1a: {  	s8 =	sadd.s32 $0xFFFFE003, lr  }
0x1b: {  	s9 =	sadd.s32 $0xFFFFFEF7, lr;
	s5 =	simm.s32 $0xFFFFFFFF;
	p2 =	slt.u32 s8, $0xFFFFF086  }
0x1c: {  	p1 =	slt.u32 s9, $0xF7A;
	s5 =	simm.s32 @!p2 $0x0  }
0x1d: {  	s5 =	simm.s32 @p1 $0x1;
	p0 =	seq.s32 s7, s2  }
0x1e: {  	s7 =	smul.u32 @!p0 $0xF7A, s2;
	p2 =	seq.s32 @!p0 s5, $0x0  }
0x1f: {  	s9 =	smul.u32 $0xF7A, s1;
	s8 =	simm.s32 @!p0 $0x1BF5;
	p2 =	por !p2, p0  }
0x20: {  	[sflag:s8] =	ssyncset.s32 @!p0 $0xFFFFF086;
	s6 =	sadd.s32 @!p0 s3, s7;
	s7 =	simm.s32 @!p0 $0x108  }
0x21: {  	s3 =	sadd.s32 s3, s9;
	s6 =	sadd.s32 @!p0 $0x88, s6;
	s7 =	simm.s32 @p2 $0x1082  }
0x22: {  	[simem:s7], [sflag:s8] =	dma.local @!p0 [hbm:s6], $0xF7A  }
0x23: {  	s9 =	sor.u32 $0xD0000000, s2;
	s6 =	simm.s32 $0x108;
	_ =	swait.ge @!p0 [sflag:s8], $0x0  }
0x24: {  	s3 =	sadd.s32 $0x88, s3;
	s6 =	simm.s32 @!p1 $0x1082;
	[sflag:s4] =	ssyncset.s32 $0xFFFFF086  }
0x25: {  	[simem:s6], [sflag:s4] =	dma.local [hbm:s3], $0xF7A  }
0x26: {  	[smem:$0x3F9D] =	sst s1;
	(tag) =	ssettag s2;
	_ =	strace s9  }
0x27: {  	s1 =	sld [smem:$0x3FAD]  }
0x28: {  	s2 =	sld [smem:$0x3FAE]  }
0x29: {  	s4 =	sld [smem:$0x3FB0]  }
0x2a: {  	p0 =	seq.s32 s5, $0x0;
	s5 =	sld [smem:$0x3FB1]  }
0x2b: {  	s6 =	sld [smem:$0x3FB2]  }
0x2c: {  	s7 =	sld [smem:$0x3FB3]  }
0x2d: {  	s3 =	simm.s32 $0x108;
	s8 =	sld [smem:$0x3FB4]  }
0x2e: {  	s3 =	simm.s32 @!p0 $0x1082;
	s9 =	sld [smem:$0x3FB5]  }
0x2f: {  	lr =	sadd.s32 s0, s3;
	s0 =	sld [smem:$0x3FAC]  }
0x30: {  	s3 =	sld [smem:$0x3FAF]  }
0x31: {  	[smem:$0x3FB8] =	sst s10  }
0x32: {  	s10 =	sld [smem:$0x3FB6];
	_ =	sdelay $0x3  }
0x33: {  	p0 =	seq.s32 s10, $0x1;
	s10 =	sld [smem:$0x3FB8];
	_ =	sdelay $0x3  }
0x34: {  	[smem:$0x3FB8] =	sst s10  }
0x35: {  	s10 =	sld [smem:$0x3FB7];
	_ =	sdelay $0x3  }
0x36: {  	p1 =	seq.s32 s10, $0x1;
	s10 =	sld [smem:$0x3FB8];
	_ =	sdelay $0x3  }
0x37: {  	[smem:$0x3FB8] =	sst s10  }
0x38: {  	s10 =	sld [smem:$0x3FB9]  }
0x39: {  	_ = 	snop;
	(pc) =	sbr.ind lr, $3  }
0x3a: {  	_ = 	snop  }
0x3b: {  	_ = 	snop  }
0x3c: {  	p2 =	seq.s32 s10, $0x1;
	s10 =	sld [smem:$0x3FB8]  }
0x3d: {  	_ =	shalt  }
0x3e: {  	_ =	shalt  }
0x3f: {  	_ =	shalt  }
0x40: {  	_ =	shalt  }
0x41: {  	_ =	shalt  }
0x42: {  	_ =	shalt  }
0x43: {  	_ =	shalt  }
0x44: {  	_ =	shalt  }
0x45: {  	_ =	shalt  }
0x46: {  	_ =	shalt  }
0x47: {  	_ =	shalt  }
0x48: {  	_ =	shalt  }
0x49: {  	_ =	shalt  }
0x4a: {  	_ =	shalt  }
0x4b: {  	_ =	shalt  }
0x4c: {  	_ =	shalt  }
0x4d: {  	_ =	shalt  }
0x4e: {  	_ =	shalt  }
0x4f: {  	_ =	shalt  }
0x50: {  	_ =	shalt  }
0x51: {  	_ =	shalt  }
0x52: {  	_ =	shalt  }
0x53: {  	_ =	shalt  }
0x54: {  	_ =	shalt  }
0x55: {  	_ =	shalt  }
0x56: {  	_ =	shalt  }
0x57: {  	_ =	shalt  }
0x58: {  	_ =	shalt  }
0x59: {  	_ =	shalt  }
0x5a: {  	_ =	shalt  }
0x5b: {  	_ =	shalt  }
0x5c: {  	_ =	shalt  }
0x5d: {  	_ =	shalt  }
0x5e: {  	_ =	shalt  }
0x5f: {  	_ =	shalt  }
0x60: {  	_ =	shalt  }
0x61: {  	_ =	shalt  }
0x62: {  	_ =	shalt  }
0x63: {  	_ =	shalt  }
0x64: {  	_ =	shalt  }
0x65: {  	_ =	shalt  }
0x66: {  	_ =	shalt  }
0x67: {  	_ =	shalt  }
0x68: {  	_ =	shalt  }
0x69: {  	_ =	shalt  }
0x6a: {  	_ =	shalt  }
0x6b: {  	_ =	shalt  }
0x6c: {  	_ =	shalt  }
0x6d: {  	_ =	shalt  }
0x6e: {  	_ =	shalt  }
0x6f: {  	_ =	shalt  }
0x70: {  	_ =	shalt  }
0x71: {  	_ =	shalt  }
0x72: {  	_ =	shalt  }
0x73: {  	_ =	shalt  }
0x74: {  	_ =	shalt  }
0x75: {  	_ =	shalt  }
0x76: {  	_ =	shalt  }
0x77: {  	_ =	shalt  }
0x78: {  	_ =	shalt  }
0x79: {  	_ =	shalt  }
0x7a: {  	_ =	shalt  }
0x7b: {  	_ =	shalt  }
0x7c: {  	_ =	shalt  }
0x7d: {  	_ =	shalt  }
0x7e: {  	_ =	shalt  }
0x7f: {  	_ =	shalt  }
0x80: {  	_ =	shalt  }
0x81: {  	_ =	shalt  }
0x82: {  	_ =	shalt  }
0x83: {  	_ =	shalt  }
0x84: {  	_ =	shalt  }
0x85: {  	_ =	shalt  }
0x86: {  	_ =	shalt  }
0x87: {  	_ =	shalt  }
.Lfunc_end0:
.L_simem_size_0:
called_computation.1_lowered:
.L_overlay_start_0:
0x88: {  	s2 =	sld [smem:$0x3FD9]  }
0x89: {  	s3 =	sld [smem:$0x3FFE];
	_ =	sdelay $0x1  }
0x8a: {  	s1 =	srdreg.scid  }
0x8b: {  	s0 =	sand.u32 $0x1, s1  }
0x8c: {  	s17 =	sshll.u32 s0, $0xA;
	s2 =	sadd.s32 s3, s2  }
0x8d: {  	s2 =	sadd.s32 s2, s17  }
0x8e: {  	[smem:$0x3FC4] =	sst s2  }
0x8f: {  	_ = 	snop  }
0x90: {  	s18 =	sld [smem:$0x3FC8]  }
0x91: {  	s4 =	sld [smem:$0x3FD0];
	(tm) =	ssettm $0x1  }
0x92: {  	s19 =	sld [smem:$0x3FFB];
	_ =	sdelay $0x3  }
0x93: {  	_ =	strace s19  }
0x94: {  	s2 =	sld [smem:$0x3FFC];
	_ =	sdelay $0x3  }
0x95: {  	_ =	strace s2  }
0x96: {  	s2 =	sld [smem:$0x3FFD];
	_ =	sdelay $0x3  }
0x97: {  	_ =	strace s2  }
0x98: {  	_ =	strace $0x8FFFFFFF  }
0x99: {  	s20 =	sld [smem:$0x3FDB];
	_ =	sdelay $0x1  }
0x9a: {  	s5 =	simm.s32 $_scs_section_size  }
0x9b: {  	s6 =	simm.s32 $_size__tile_overlayer_lowered;
	s7 =	simm.s32 $_tile_overlayer_lowered  }
0x9c: {  	s8 =	simm.s32 $0x1BFF;
	s21 =	sshll.u32 s7, $0x1;
	s5 =	sadd.s32 s5, s20  }
0x9d: {  	s22 =	simm.s32 $0x0;
	s6 =	sshll.u32 s6, $0x1;
	s7 =	sadd.s32 s21, s5  }
0x9e: {  	[timem:s22], [sflag:s8] =	dma.local [hbm:s7], s6  }
0x9f: {  	_ =	swait.ge [sflag:s8], s6  }
0xa0: {  	s6 =	ssub.s32 $0x0, s6;
	[sflag:s8] =	ssyncset.done $0x0  }
0xa1: {  	[sflag:s8] =	ssyncadd.s32 s6;
	_ =	sdelay $0x1  }
0xa2: {  	s23 =	simm.s32 $0x1B8B  }
0xa3: {  	_ =	swait.ge [sflag:s23], $0x1  }
0xa4: {  	[sflag:s23] =	ssyncset.done $0x0  }
0xa5: {  	[sflag:s23] =	ssyncadd.s32 $0xFFFFFFFF  }
0xa6: {  	s6 =	sld [smem:$0x0]  }
0xa7: {  	s7 =	sand.u32 $0xFFFFFFFE, s1  }
0xa8: {  	p0 =	sne.s32 s1, s7  }
0xa9: {  	s7 =	sshll.u32 @p0 s7, $0xE  }
0xaa: {  	s7 =	sadd.s32 @p0 $0x11B8D, s7;
	s8 =	sshll.u32 @p0 s6, $0x11  }
0xab: {  	s7 =	sor.u32 @p0 s8, s7  }
0xac: {  	[sflag:s7] =	ssyncadd.remote.s32 @p0 $0x1;
	_ =	sdelay $0x1  }
0xad: {  	s7 =	simm.s32 @p0 $0x1B8D  }
0xae: {  	_ =	swait.eq @p0 [sflag:s7], $0x1  }
0xaf: {  	[sflag:s7] =	ssyncadd.s32 @p0 $0xFFFFFFFF  }
0xb0: {  	s8 =	sshll.u32 @!p0 s1, $0xE  }
0xb1: {  	s8 =	sor.u32 @!p0 $0x4000, s8;
	s7 =	simm.s32 @!p0 $0x1B8D  }
0xb2: {  	s6 =	sshll.u32 @!p0 s6, $0x11;
	s8 =	sadd.s32 @!p0 $0x11B8D, s8;
	_ =	swait.eq @!p0 [sflag:s7], $0x1  }
0xb3: {  	s6 =	sor.u32 @!p0 s6, s8;
	[sflag:s7] =	ssyncadd.s32 @!p0 $0xFFFFFFFF  }
0xb4: {  	s25 =	simm.s32 $0x1B8E;
	s24 =	sld [smem:$0x3FFE];
	[sflag:s6] =	ssyncadd.remote.s32 @!p0 $0x1  }
0xb5: {  	s26 =	simm.s32 $execute0_lowered;
	[smem:$0x3FD2] =	sst s25  }
0xb6: {  	s7 =	sshll.u32 s26, $0x1;
	_ =	strace $0x80000049;
	[dreg:$0x1] =	wrdreg $0xFFFFFFFF  }
0xb7: {  	s28 =	simm.s32 $_size_execute0_lowered;
	s5 =	sadd.s32 s5, s7;
	[dreg:$0x0] =	wrdreg $0x0  }
0xb8: {  	s7 =	sshll.u32 s28, $0x1;
	[dreg:$0x2] =	wrdreg s5  }
0xb9: {  	[dreg:$0x3] =	wrdreg s7  }
0xba: {  	[dreg:$0x4] =	wrdreg $0xC0  }
0xbb: {  	_ =	task [dreg:s22], $0x5FFFF  }
0xbc: {  	[dreg:$0x1] =	wrdreg $0xFFFFFFFF  }
0xbd: {  	[dreg:$0x0] =	wrdreg $0x60  }
0xbe: {  	[dreg:$0x2] =	wrdreg s24  }
0xbf: {  	[dreg:$0x3] =	wrdreg s18  }
0xc0: {  	[dreg:$0x4] =	wrdreg s4  }
0xc1: {  	[dreg:$0x5] =	wrdreg $0xA  }
0xc2: {  	_ =	task.clear_ibuf [dreg:s22], $0x6FFFF;
	_ =	strace $0x90000049  }
0xc3: {  	s29 =	simm.s32 $0xA;
	_ =	strace $0x8000004B  }
0xc4: {  	_ =	swait.ge [sflag:s29], $0x1  }
0xc5: {  	[sflag:s29] =	ssyncadd.s32 $0xFFFFFFFF  }
0xc6: {  	_ =	strace $0x9000004B  }
0xc7: {  	_ =	sfence  }
0xc8: {  	s30 =	sld [smem:$0x0];
	_ =	sdelay $0x2  }
0xc9: {  	s31 =	sshll.u32 s1, $0xD;
	s1 =	sshrl.u32 s1, $0x2  }
0xca: {  	s4 =	sand.u32 $0x4000, s31;
	s1 =	sadd.s32 s1, s30  }
0xcb: {  	s0 =	sor.u32 s4, s0;
	s1 =	sshll.u32 s1, $0x11  }
0xcc: {  	s0 =	sor.u32 s1, s0  }
0xcd: {  	s0 =	sadd.s32 $0x8F2B, s0  }
0xce: {  	[sflag:s0] =	ssyncadd.remote.s32 $0x1  }
0xcf: {  	_ =	sfence.sel $0xFFFF  }
0xd0: {  	[dreg:$0x0] =	wrdreg $0xFFFFFFFF;
	(pc) =	sbr.abs _section_cstart, $3  }
0xd1: {  	[dreg:$0x1] =	wrdreg $0xFFFFFFFF  }
0xd2: {  	_ =	task.clear_ibuf [dreg:s22], $0x2FFFF;
	_ =	strace $0x9FFFFFFF  }
0xd3: {  	(tm) =	ssettm $0x7FFFFFFF  }
tec
execute0_lowered:
.L_overlay_start_1:
0x0: {  	(tag) =	ssettag $0x1  }
0x1: {  	s6 =	rddreg [dreg:$0x0]  }
0x2: {  	s2 =	rddreg [dreg:$0x1]  }
0x3: {  	s1 =	srdreg.scid;
	s0 =	stileid.u32  }
0x4: {  	s3 =	rddreg [dreg:$0x2];
	s4 =	simm.s32 $0x0;
	s10 =	simm.s32 $0x80  }
0x5: {  	s11 =	simm.s32 $0x1000;
	s12 =	simm.s32 $0x1;
	s13 =	simm.s32 $0x5000  }
0x6: {  	s14 =	simm.s32 $0x9000;
	s15 =	simm.s32 $0x2;
	s16 =	simm.s32 $0xB000  }
0x7: {  	s17 =	simm.s32 $0x3;
	s7 =	sand.u32 $0x1, s1;
	s5 =	sshll.u32 s0, $0x1  }
0x8: {  	s18 =	simm.s32 $0x4;
	s1 =	rddreg [dreg:$0x3];
	s8 =	sor.u32 s7, s5  }
0x9: {  	s19 =	simm.s32 $0x0;
	[smem:$0x7FF] =	sst s4;
	s5 =	smul.u32 $0x64000, s8  }
0xa: {  	_ =	strace $0x8000004A;
	s7 =	ssub.s32 $0x2, s7;
	s8 =	sshll.u32 s8, $0x9  }
0xb: {  	s31 =	sshrl.u32 s7, $0x1;
	s6 =	sadd.s32 s8, s6;
	s9 =	sshrl.u32 s5, $0x4  }
0xc: {  	s8 =	ssub.s32 s7, s31;
	s6 =	sadd.s32 $0xCD200, s6;
	s9 =	sadd.s32 s3, s9  }
0xd: {  	s8 =	smax.u32 s8, $0x1;
	s7 =	sadd.s32 $0x6000, s9;
	s9 =	simm.s32 $0x5  }
.LBB2_1:
0xe: {  	[tilespmem:s4], [sflag:$0x5] =	stream.linear.gather [hbm4b:s6+s4], $0xC80, $0x38;
	[tilespmem:$0xD000] =	vst v63  }
0xf: {  	_ =	swait.ge [sflag:s9], $0xC80  }
0x10: {  	[sflag:s9] =	ssyncset.done $0x0  }
0x11: {  	s20 =	simm.s32 $0x0;
	[sflag:s9] =	ssyncadd.s32 $0xFFFFF380  }
0x12: {  	[tilespmem:s11], [sflag:$0x1] =	stream.indirect.gather [hbm4b:s2+s10], $0x80, s4, s10, $0xb8;
	[tilespmem:$0xD000] =	vst v63  }
.LBB2_2:
0x13: {  	_ =	swait.ge [sflag:s12], $0x4000;
	s21 =	sshllo.u32 s20, $0x1  }
0x14: {  	[sflag:s12] =	ssyncset.done $0x0;
	s22 =	sshll.u32 s21, $0x7  }
0x15: {  	p0 =	seq.s32 s20, $0x0;
	[sflag:s12] =	ssyncadd.s32 $0xFFFFC000;
	s22 =	sand.u32 $0x3FFFFF80, s22  }
0x16: {  	[tilespmem:s13], [sflag:$0x2] =	stream.indirect.gather [hbm4b:s2+s10], $0x80, s22, s10, $0xb8;
	[tilespmem:$0xD000] =	vst v63  }
0x17: {  	s22 =	simm.s32 @!p0 $0x3  }
0x18: {  	_ =	swait.ge @!p0 [sflag:s22], $0x2000  }
0x19: {  	[sflag:s22] =	ssyncset.done @!p0 $0x0  }
0x1a: {  	[sflag:s22] =	ssyncadd.s32 @!p0 $0xFFFFE000;
	s22 =	simm.s32 $0x1040  }
0x1b: {  	v0 =	vld [tilespmem:s22+$0xFFFFFFC0]  }
0x1c: {  	v1 =	vld [tilespmem:s22+$0xFFFFFFD0];
	_ =	sdelay $0x3  }
0x1d: {  	s23 =	simm.s32 $0x0  }
0x1e: {  	s23 =	sand.u32 $0x1F80, s23;
	v0 =	vpack.i.f32.bf16 v1, v0  }
0x1f: {  	[tilespmem:s23+$0x9000] =	vst v0  }
0x20: {  	v0 =	vld [tilespmem:s22+$0xFFFFFFE0]  }
0x21: {  	v1 =	vld [tilespmem:s22+$0xFFFFFFF0];
	_ =	sdelay $0x4  }
0x22: {  	v0 =	vpack.i.f32.bf16 v1, v0  }
0x23: {  	[tilespmem:s23+$0x9020] =	vst v0  }
0x24: {  	v0 =	vld [tilespmem:s22+$0x0]  }
0x25: {  	v1 =	vld [tilespmem:s22+$0x10];
	_ =	sdelay $0x4  }
0x26: {  	v0 =	vpack.i.f32.bf16 v1, v0  }
0x27: {  	[tilespmem:s23+$0x9040] =	vst v0  }
0x28: {  	v0 =	vld [tilespmem:s22+$0x20]  }
0x29: {  	s24 =	simm.s32 $0x0;
	s25 =	simm.s32 $0x1;
	v1 =	vld [tilespmem:s22+$0x30]  }
.LBB2_3:
0x2a: {  	_ =	sdelay $0x1  }
0x2b: {  	p1 =	sne.s32 s25, $0x7F;
	s24 =	sadd.s32 $0x80, s24;
	s22 =	sadd.s32 $0x80, s22  }
0x2c: {  	s25 =	sadd.s32 $0x1, s25  }
0x2d: {  	v0 =	vpack.i.f32.bf16 v1, v0  }
0x2e: {  	[tilespmem:s23+$0x9060] =	vst v0  }
0x2f: {  	v0 =	vld [tilespmem:s22+$0xFFFFFFC0]  }
0x30: {  	v1 =	vld [tilespmem:s22+$0xFFFFFFD0];
	_ =	sdelay $0x3  }
0x31: {  	s23 =	sshrl.u32 s24, $0x1  }
0x32: {  	s23 =	sand.u32 $0x1F80, s23;
	v0 =	vpack.i.f32.bf16 v1, v0  }
0x33: {  	[tilespmem:s23+$0x9000] =	vst v0  }
0x34: {  	v0 =	vld [tilespmem:s22+$0xFFFFFFE0]  }
0x35: {  	v1 =	vld [tilespmem:s22+$0xFFFFFFF0];
	_ =	sdelay $0x4  }
0x36: {  	v0 =	vpack.i.f32.bf16 v1, v0  }
0x37: {  	[tilespmem:s23+$0x9020] =	vst v0  }
0x38: {  	v0 =	vld [tilespmem:s22+$0x0]  }
0x39: {  	v1 =	vld [tilespmem:s22+$0x10];
	_ =	sdelay $0x3  }
.Ltmp0:
0x3a: {  	(pc) =	sbr.rel @p1 .LBB2_3-.Ltmp0, $4  }
0x3b: {  	v0 =	vpack.i.f32.bf16 v1, v0  }
0x3c: {  	[tilespmem:s23+$0x9040] =	vst v0  }
0x3d: {  	v0 =	vld [tilespmem:s22+$0x20]  }
0x3e: {  	v1 =	vld [tilespmem:s22+$0x30]  }
0x3f: {  	_ =	sdelay $0x1  }
0x40: {  	s22 =	sshll.u32 s20, $0xF  }
0x41: {  	s22 =	sadd.s32 s5, s22  }
0x42: {  	s22 =	sshrl.u32 s22, $0x4;
	v0 =	vpack.i.f32.bf16 v1, v0  }
0x43: {  	s22 =	sadd.s32 s3, s22;
	[tilespmem:s23+$0x9060] =	vst v0  }
0x44: {  	[hbm4b:s22+s4] =	stream.linear.scatter [tilespmem:s14], [sflag:$0x3], $0x2000, $0x38;
	[tilespmem:$0xD000] =	vst v63  }
0x45: {  	s30 =	sshll.u32 s20, $0x8;
	_ =	swait.ge [sflag:s15], $0x4000  }
0x46: {  	s22 =	sand.u32 $0x3FFFFF00, s30;
	[sflag:s15] =	ssyncset.done $0x0  }
0x47: {  	s22 =	sadd.s32 $0x100, s22;
	[sflag:s15] =	ssyncadd.s32 $0xFFFFC000  }
0x48: {  	[tilespmem:s11], [sflag:$0x1] =	stream.indirect.gather [hbm4b:s2+s10], $0x80, s22, s10, $0xb8;
	[tilespmem:$0xD000] =	vst v63  }
0x49: {  	s22 =	simm.s32 @!p0 $0x4  }
0x4a: {  	_ =	swait.ge @!p0 [sflag:s22], $0x2000  }
0x4b: {  	[sflag:s22] =	ssyncset.done @!p0 $0x0  }
0x4c: {  	s25 =	simm.s32 $0x0;
	[sflag:s22] =	ssyncadd.s32 @!p0 $0xFFFFE000  }
0x4d: {  	v0 =	vld [tilespmem:s25+$0x5000]  }
0x4e: {  	v1 =	vld [tilespmem:s25+$0x5010];
	_ =	sdelay $0x3  }
0x4f: {  	s31 =	simm.s32 $0x0  }
0x50: {  	s22 =	sand.u32 $0x1F80, s31;
	v0 =	vpack.i.f32.bf16 v1, v0  }
0x51: {  	[tilespmem:s22+$0xB000] =	vst v0  }
0x52: {  	v0 =	vld [tilespmem:s25+$0x5020]  }
0x53: {  	v1 =	vld [tilespmem:s25+$0x5030];
	_ =	sdelay $0x4  }
0x54: {  	v0 =	vpack.i.f32.bf16 v1, v0  }
0x55: {  	[tilespmem:s22+$0xB020] =	vst v0  }
0x56: {  	v0 =	vld [tilespmem:s25+$0x5040]  }
0x57: {  	v1 =	vld [tilespmem:s25+$0x5050];
	_ =	sdelay $0x4  }
0x58: {  	v0 =	vpack.i.f32.bf16 v1, v0  }
0x59: {  	[tilespmem:s22+$0xB040] =	vst v0  }
0x5a: {  	v0 =	vld [tilespmem:s25+$0x5060]  }
0x5b: {  	s24 =	simm.s32 $0x200;
	s23 =	simm.s32 $0x0;
	v1 =	vld [tilespmem:s25+$0x5070];
	s25 =	simm.s32 $0x0  }
.LBB2_5:
0x5c: {  	_ = 	snop  }
0x5d: {  	p0 =	sne.s32 s24, $0xFE00;
	s23 =	sadd.s32 $0x1, s23;
	s25 =	sadd.s32 $0x80, s25  }
0x5e: {  	s26 =	smov.u32 s24;
	s24 =	sadd.s32 $0x200, s24;
	_ =	sdelay $0x1  }
0x5f: {  	v0 =	vpack.i.f32.bf16 v1, v0  }
0x60: {  	s26 =	sshra.s32 s26, $0x2;
	[tilespmem:s22+$0xB060] =	vst v0  }
0x61: {  	v0 =	vld [tilespmem:s26+$0x5000]  }
0x62: {  	v1 =	vld [tilespmem:s26+$0x5010];
	_ =	sdelay $0x2  }
0x63: {  	s22 =	sshrl.u32 s25, $0x1  }
0x64: {  	s22 =	sand.u32 $0x1F80, s22  }
0x65: {  	v0 =	vpack.i.f32.bf16 v1, v0  }
0x66: {  	[tilespmem:s22+$0xB000] =	vst v0  }
0x67: {  	v0 =	vld [tilespmem:s26+$0x5020]  }
0x68: {  	v1 =	vld [tilespmem:s26+$0x5030];
	_ =	sdelay $0x4  }
0x69: {  	v0 =	vpack.i.f32.bf16 v1, v0  }
0x6a: {  	[tilespmem:s22+$0xB020] =	vst v0  }
0x6b: {  	v0 =	vld [tilespmem:s26+$0x5040]  }
0x6c: {  	v1 =	vld [tilespmem:s26+$0x5050];
	_ =	sdelay $0x3  }
.Ltmp1:
0x6d: {  	(pc) =	sbr.rel @p0 .LBB2_5-.Ltmp1, $4  }
0x6e: {  	v0 =	vpack.i.f32.bf16 v1, v0  }
0x6f: {  	[tilespmem:s22+$0xB040] =	vst v0  }
0x70: {  	v0 =	vld [tilespmem:s26+$0x5060]  }
0x71: {  	v1 =	vld [tilespmem:s26+$0x5070]  }
0x72: {  	s20 =	sadd.s32 $0x1, s20  }
0x73: {  	p0 =	sne.s32 s20, $0xC  }
.Ltmp2:
0x74: {  	s21 =	sshll.u32 s21, $0xE;
	(pc) =	sbr.rel @p0 .LBB2_2-.Ltmp2, $4  }
0x75: {  	s21 =	sadd.s32 s5, s21  }
0x76: {  	s21 =	sshrl.u32 s21, $0x4;
	v0 =	vpack.i.f32.bf16 v1, v0  }
0x77: {  	s21 =	sadd.s32 s3, s21;
	[tilespmem:s22+$0xB060] =	vst v0  }
0x78: {  	[hbm4b:s21+s4] =	stream.linear.scatter [tilespmem:s16], [sflag:$0x4], $0x2000, $0x38;
	[tilespmem:$0xD000] =	vst v63  }
0x79: {  	_ =	swait.ge [sflag:s12], $0x4000  }
0x7a: {  	[sflag:s12] =	ssyncset.done $0x0  }
0x7b: {  	[sflag:s12] =	ssyncadd.s32 $0xFFFFC000  }
0x7c: {  	_ =	swait.ge [sflag:s17], $0x2000  }
0x7d: {  	[sflag:s17] =	ssyncset.done $0x0  }
0x7e: {  	s20 =	simm.s32 $0x1040;
	[sflag:s17] =	ssyncadd.s32 $0xFFFFE000  }
0x7f: {  	v0 =	vld [tilespmem:s20+$0xFFFFFFC0]  }
0x80: {  	v1 =	vld [tilespmem:s20+$0xFFFFFFD0];
	_ =	sdelay $0x3  }
0x81: {  	s21 =	simm.s32 $0x0  }
0x82: {  	s21 =	sand.u32 $0x1F80, s21;
	v0 =	vpack.i.f32.bf16 v1, v0  }
0x83: {  	[tilespmem:s21+$0x9000] =	vst v0  }
0x84: {  	v0 =	vld [tilespmem:s20+$0xFFFFFFE0]  }
0x85: {  	v1 =	vld [tilespmem:s20+$0xFFFFFFF0];
	_ =	sdelay $0x4  }
0x86: {  	v0 =	vpack.i.f32.bf16 v1, v0  }
0x87: {  	[tilespmem:s21+$0x9020] =	vst v0  }
0x88: {  	v0 =	vld [tilespmem:s20+$0x0]  }
0x89: {  	v1 =	vld [tilespmem:s20+$0x10];
	_ =	sdelay $0x4  }
0x8a: {  	v0 =	vpack.i.f32.bf16 v1, v0  }
0x8b: {  	[tilespmem:s21+$0x9040] =	vst v0  }
0x8c: {  	v0 =	vld [tilespmem:s20+$0x20]  }
0x8d: {  	s22 =	simm.s32 $0x0;
	s23 =	simm.s32 $0x1;
	v1 =	vld [tilespmem:s20+$0x30]  }
.LBB2_8:
0x8e: {  	_ =	sdelay $0x1  }
0x8f: {  	p0 =	sne.s32 s23, $0x7F;
	s22 =	sadd.s32 $0x80, s22;
	s20 =	sadd.s32 $0x80, s20  }
0x90: {  	s23 =	sadd.s32 $0x1, s23  }
0x91: {  	v0 =	vpack.i.f32.bf16 v1, v0  }
0x92: {  	[tilespmem:s21+$0x9060] =	vst v0  }
0x93: {  	v0 =	vld [tilespmem:s20+$0xFFFFFFC0]  }
0x94: {  	v1 =	vld [tilespmem:s20+$0xFFFFFFD0];
	_ =	sdelay $0x3  }
0x95: {  	s21 =	sshrl.u32 s22, $0x1  }
0x96: {  	s21 =	sand.u32 $0x1F80, s21;
	v0 =	vpack.i.f32.bf16 v1, v0  }
0x97: {  	[tilespmem:s21+$0x9000] =	vst v0  }
0x98: {  	v0 =	vld [tilespmem:s20+$0xFFFFFFE0]  }
0x99: {  	v1 =	vld [tilespmem:s20+$0xFFFFFFF0];
	_ =	sdelay $0x4  }
0x9a: {  	v0 =	vpack.i.f32.bf16 v1, v0  }
0x9b: {  	[tilespmem:s21+$0x9020] =	vst v0  }
0x9c: {  	v0 =	vld [tilespmem:s20+$0x0]  }
0x9d: {  	v1 =	vld [tilespmem:s20+$0x10];
	_ =	sdelay $0x3  }
.Ltmp3:
0x9e: {  	(pc) =	sbr.rel @p0 .LBB2_8-.Ltmp3, $4  }
0x9f: {  	v0 =	vpack.i.f32.bf16 v1, v0  }
0xa0: {  	[tilespmem:s21+$0x9040] =	vst v0  }
0xa1: {  	v0 =	vld [tilespmem:s20+$0x20]  }
0xa2: {  	v1 =	vld [tilespmem:s20+$0x30]  }
0xa3: {  	_ =	sdelay $0x3  }
0xa4: {  	v0 =	vpack.i.f32.bf16 v1, v0  }
0xa5: {  	s19 =	sadd.s32 $0x1, s19;
	[tilespmem:s21+$0x9060] =	vst v0  }
0xa6: {  	[hbm4b:s7+s4] =	stream.linear.scatter [tilespmem:s14], [sflag:$0x3], $0x2000, $0x38;
	[tilespmem:$0xD000] =	vst v63  }
0xa7: {  	p0 =	sne.s32 s19, s8;
	_ =	swait.ge [sflag:s17], $0x2000  }
.Ltmp4:
0xa8: {  	[sflag:s17] =	ssyncset.done $0x0;
	(pc) =	sbr.rel @p0 .LBB2_1-.Ltmp4, $4  }
0xa9: {  	[sflag:s17] =	ssyncadd.s32 $0xFFFFE000  }
0xaa: {  	_ =	swait.ge [sflag:s18], $0x2000  }
0xab: {  	[sflag:s18] =	ssyncset.done $0x0  }
0xac: {  	[sflag:s18] =	ssyncadd.s32 $0xFFFFE000  }
0xad: {  	_ =	sfence.sel $0x180000  }
0xae: {  	[bflag:$0x0] =	sbarrier.arrive $0xFFFF  }
0xaf: {  	p0 =	sne.s32 s0, $0x0;
	_ =	strace $0x9000004A  }
0xb0: {  	s0 =	sadd.s32 @!p0 $0x100000, s1;
	[bflag:$0x2] =	sbarrier.arrive $0xFFFF  }
0xb1: {  	[sflag:s0] =	ssyncadd.tile.s32 @!p0 $0x1;
	_ =	shalt  }
.Lfunc_end2:
_tile_overlayer_lowered:
.L_overlay_start_2:
0xb2: {  	(tag) =	ssettag $0x2  }
0xb3: {  	s0 =	rddreg [dreg:$0x0];
	s2 =	stileid.u32  }
0xb4: {  	s1 =	rddreg [dreg:$0x1];
	p0 =	sne.s32 s2, $0x0  }
0xb5: {  	s3 =	rddreg [dreg:$0x2];
	[bflag:$0x3] =	sbarrier.arrive $0xFFFF;
	s2 =	simm.s32 @!p0 $0x1C05  }
0xb6: {  	[timem:s3], [sflag:s2] =	dma.local @!p0 [hbm:s0], s1  }
0xb7: {  	s0 =	simm.s32 @!p0 $0x5  }
0xb8: {  	_ =	swait.ge @!p0 [sflag:s0], s1  }
0xb9: {  	s1 =	ssub.s32 @!p0 $0x0, s1;
	[sflag:s0] =	ssyncset.done @!p0 $0x0  }
0xba: {  	[sflag:s0] =	ssyncadd.s32 @!p0 s1  }
0xbb: {  	[bflag:$0x3] =	sbarrier.arrive $0xFFFF  }
0xbc: {  	_ =	shalt  }

</sc_bundles>
